<compile_context>
chip_gen: v7x
topology: tpu7x:2x2x1
jax: 0.10.2.dev20260603
libtpu: 0.0.44.dev20260713+nightly
codegen_flags: <defaults>
</compile_context>

<pallas_src>
import functools

import jax
import jax.numpy as jnp
from jax import lax
from jax.experimental import pallas as pl
from jax.experimental.pallas import tpu as pltpu
from jax.experimental.pallas import tpu_sc as plsc

B = 16384
VOCAB_CAT = 1000
CAT_EMB = 64
SUBCAT_EMB = 128
OUT_DIM = 128
NUM_SCALARS = 8

_NC = 2
_NS = 16
_NW = _NC * _NS
_BPW = B // _NW
_CHUNK = 128
_NCH = _BPW // _CHUNK
_IDX_ROWS = B // _CHUNK


@functools.lru_cache(maxsize=None)
def _build_sc_gather():
    mesh = plsc.VectorSubcoreMesh(core_axis_name="c", subcore_axis_name="s")

    @functools.partial(
        pl.kernel,
        mesh=mesh,
        out_type=[
            jax.ShapeDtypeStruct((B, SUBCAT_EMB), jnp.float32),
            jax.ShapeDtypeStruct((B, OUT_DIM), jnp.float32),
        ],
        scratch_types=[
            pltpu.VMEM((_BPW,), jnp.int32),
            pltpu.VMEM((_BPW,), jnp.int32),
            pltpu.VMEM((2 * _CHUNK, SUBCAT_EMB), jnp.float32),
            pltpu.VMEM((2 * _CHUNK, OUT_DIM), jnp.float32),
            pltpu.SemaphoreType.DMA,
            pltpu.SemaphoreType.DMA,
            pltpu.SemaphoreType.DMA,
            pltpu.SemaphoreType.DMA,
        ],
    )
    def gather_kernel(sub_idx_hbm, cat_idx_hbm, sub_tbl_hbm, cat_tbl_hbm,
                      se_hbm, ce_hbm, sidx, cidx, srows, crows,
                      gs_sem, gc_sem, ws_sem, wc_sem):
        wid = lax.axis_index("s") * _NC + lax.axis_index("c")
        base = wid * _BPW
        pltpu.sync_copy(sub_idx_hbm.at[pl.ds(base, _BPW)], sidx)
        pltpu.sync_copy(cat_idx_hbm.at[pl.ds(base, _BPW)], cidx)

        def gather(ch):
            slot = (ch % 2) * _CHUNK
            return (pltpu.async_copy(
                        sub_tbl_hbm.at[sidx.at[pl.ds(ch * _CHUNK, _CHUNK)]],
                        srows.at[pl.ds(slot, _CHUNK)], gs_sem),
                    pltpu.async_copy(
                        cat_tbl_hbm.at[cidx.at[pl.ds(ch * _CHUNK, _CHUNK)]],
                        crows.at[pl.ds(slot, _CHUNK)], gc_sem))

        def writeback(ch):
            slot = (ch % 2) * _CHUNK
            dst = base + ch * _CHUNK
            return (pltpu.async_copy(srows.at[pl.ds(slot, _CHUNK)],
                                     se_hbm.at[pl.ds(dst, _CHUNK)], ws_sem),
                    pltpu.async_copy(crows.at[pl.ds(slot, _CHUNK)],
                                     ce_hbm.at[pl.ds(dst, _CHUNK)], wc_sem))

        g = {0: gather(0)}
        w = {}
        for ch in range(_NCH):
            for c in g.pop(ch):
                c.wait()
            w[ch] = writeback(ch)
            if ch + 1 < _NCH:
                if ch >= 1:
                    for c in w.pop(ch - 1):
                        c.wait()
                g[ch + 1] = gather(ch + 1)
        for ch in sorted(w):
            for c in w.pop(ch):
                c.wait()

    return gather_kernel


def _fuse_cat_body(tblT_ref, w_ref, b_ref, o_ref):
    o_ref[...] = lax.dot_general(
        tblT_ref[...], w_ref[...], (((0,), (0,)), ((), ())),
        preferred_element_type=jnp.float32) + b_ref[...]


_BB = 8192


def _mlp_body(cef_ref, se_ref, sT_ref, wsa_ref, wsb_ref, wr_ref, o_ref):
    sT = sT_ref[...]
    row = lax.broadcasted_iota(jnp.int32, sT.shape, 0)
    sT = jnp.where(row == 0, jnp.log1p(sT), sT)
    se = se_ref[...]
    h = cef_ref[...]
    h = h + jnp.dot(se[:, :CAT_EMB], wsa_ref[...],
                    preferred_element_type=jnp.float32)
    h = h + jnp.dot(se[:, CAT_EMB:], wsb_ref[...],
                    preferred_element_type=jnp.float32)
    h = h + lax.dot_general(sT, wr_ref[...], (((0,), (0,)), ((), ())),
                            preferred_element_type=jnp.float32)
    o_ref[...] = 0.5 * h * (1.0 + lax.erf(h * 0.7071067811865476))


@jax.jit
def kernel(category_idx, subcategory_idx, total_weight, step_zscore,
           stage_coverage, mask_flags, cat_table, subcat_table, W, b):
    fused_cat = pl.pallas_call(
        _fuse_cat_body,
        grid=(1,),
        in_specs=[
            pl.BlockSpec((CAT_EMB, VOCAB_CAT), lambda i: (0, 0)),
            pl.BlockSpec((CAT_EMB, OUT_DIM), lambda i: (0, 0)),
            pl.BlockSpec((1, OUT_DIM), lambda i: (0, 0)),
        ],
        out_specs=pl.BlockSpec((VOCAB_CAT, OUT_DIM), lambda i: (0, 0)),
        out_shape=jax.ShapeDtypeStruct((VOCAB_CAT, OUT_DIM), jnp.float32),
    )(cat_table.T, W, b[None, :])

    se, cef = _build_sc_gather()(subcategory_idx.astype(jnp.int32),
                                 category_idx.astype(jnp.int32),
                                 subcat_table, fused_cat)

    sT = jnp.concatenate(
        [total_weight[None, :], step_zscore[None, :], stage_coverage[None, :],
         mask_flags.T], axis=0)

    out = pl.pallas_call(
        _mlp_body,
        grid=(B // _BB,),
        in_specs=[
            pl.BlockSpec((_BB, OUT_DIM), lambda i: (i, 0)),
            pl.BlockSpec((_BB, SUBCAT_EMB), lambda i: (i, 0)),
            pl.BlockSpec((NUM_SCALARS, _BB), lambda i: (0, i)),
            pl.BlockSpec((CAT_EMB, OUT_DIM), lambda i: (1, 0)),
            pl.BlockSpec((CAT_EMB, OUT_DIM), lambda i: (2, 0)),
            pl.BlockSpec((NUM_SCALARS, OUT_DIM), lambda i: (24, 0)),
        ],
        out_specs=pl.BlockSpec((_BB, OUT_DIM), lambda i: (i, 0)),
        out_shape=jax.ShapeDtypeStruct((B, OUT_DIM), jnp.float32),
    )(cef, se, sT, W, W, W)
    return out

# --- scband reference (transcript-rebuilt; emitter-appended) ---
"""Pipeline reference for scband-product-encoder-2662879723810 (READ-ONLY COPY).

The authoritative reference and input builder live on the scoring server;
editing this copy changes nothing except your own understanding.
"""

import jax, jax.numpy as jnp
import numpy as np

VOCAB_CAT = 1000
VOCAB_SUBCAT = 100000
CAT_EMB = 64
SUBCAT_EMB = 128
PRODUCT_OUT = 128
NUM_MASK_FLAGS = 5
B = 16384
IN_DIM = CAT_EMB + SUBCAT_EMB + 1 + 1 + 1 + NUM_MASK_FLAGS


def setup_inputs(seed: int = 0) -> dict:
    key = jax.random.key(seed)
    ks = jax.random.split(key, 10)
    category_idx = jax.random.randint(ks[0], (B,), 0, VOCAB_CAT, dtype=jnp.int64 if jax.config.jax_enable_x64 else jnp.int32)
    subcategory_idx = jax.random.randint(ks[1], (B,), 0, VOCAB_SUBCAT, dtype=jnp.int64 if jax.config.jax_enable_x64 else jnp.int32)
    total_weight = jax.random.uniform(ks[2], (B,), dtype=jnp.float32)
    step_zscore = jax.random.normal(ks[3], (B,), dtype=jnp.float32)
    stage_coverage = jax.random.uniform(ks[4], (B,), dtype=jnp.float32)
    mask_flags = jax.random.uniform(ks[5], (B, NUM_MASK_FLAGS), dtype=jnp.float32)
    cat_table = jax.random.normal(ks[6], (VOCAB_CAT, CAT_EMB), dtype=jnp.float32)
    subcat_table = jax.random.normal(ks[7], (VOCAB_SUBCAT, SUBCAT_EMB), dtype=jnp.float32)
    W = jax.random.normal(ks[8], (IN_DIM, PRODUCT_OUT), dtype=jnp.float32) * (1.0 / np.sqrt(IN_DIM))
    b = jax.random.normal(ks[9], (PRODUCT_OUT,), dtype=jnp.float32) * 0.01
    return {
        "category_idx": category_idx,
        "subcategory_idx": subcategory_idx,
        "total_weight": total_weight,
        "step_zscore": step_zscore,
        "stage_coverage": stage_coverage,
        "mask_flags": mask_flags,
        "cat_table": cat_table,
        "subcat_table": subcat_table,
        "W": W,
        "b": b,
    }


def reference(category_idx, subcategory_idx, total_weight, step_zscore, stage_coverage, mask_flags, cat_table, subcat_table, W, b):
    ce = jnp.take(cat_table, category_idx, axis=0)
    se = jnp.take(subcat_table, subcategory_idx, axis=0)
    lw = jnp.log1p(total_weight)[:, None]
    zs = step_zscore[:, None]
    sc = stage_coverage[:, None]
    x = jnp.concatenate([ce, se, lw, zs, sc, mask_flags], axis=-1)
    h = x @ W + b
    return jax.nn.gelu(h, approximate=False)

if __name__ == "__main__":
    import jax
    _d = setup_inputs()
    print(jax.jit(kernel)(*tuple(_d.values())))

</pallas_src>

<mosaic_0001>
#map = affine_map<(d0, d1) -> (0)>
#map1 = affine_map<(d0, d1) -> (0, 0)>
module attributes {stable_mosaic.version = 14 : i64} {
  func.func @gather_kernel(%arg0: i32, %arg1: i32, %arg2: memref<16384xi32, #tpu.memory_space<hbm>>, %arg3: memref<16384xi32, #tpu.memory_space<hbm>>, %arg4: memref<100000x128xf32, #tpu.memory_space<hbm>>, %arg5: memref<1000x128xf32, #tpu.memory_space<hbm>>, %arg6: memref<16384x128xf32, #tpu.memory_space<hbm>>, %arg7: memref<16384x128xf32, #tpu.memory_space<hbm>>, %arg8: memref<512xi32, #tpu.memory_space<vmem>>, %arg9: memref<512xi32, #tpu.memory_space<vmem>>, %arg10: memref<256x128xf32, #tpu.memory_space<vmem>>, %arg11: memref<256x128xf32, #tpu.memory_space<vmem>>, %arg12: memref<!tpu.dma_semaphore, #tpu.memory_space<semaphore_mem>>, %arg13: memref<!tpu.dma_semaphore, #tpu.memory_space<semaphore_mem>>, %arg14: memref<!tpu.dma_semaphore, #tpu.memory_space<semaphore_mem>>, %arg15: memref<!tpu.dma_semaphore, #tpu.memory_space<semaphore_mem>>) attributes {dimension_semantics = [#tpu.dimension_semantics<core_parallel>, #tpu.dimension_semantics<subcore_parallel>], iteration_bounds = array<i64: 2, 16>, scalar_prefetch = 0 : i64, scratch_operands = 8 : i64, tpu.core_type = #tpu.core_type<sc_vector_subcore>, window_params = [{transform_indices = #map}, {transform_indices = #map}, {transform_indices = #map1}, {transform_indices = #map1}, {transform_indices = #map1}, {transform_indices = #map1}]} {
    %mul3A = arith.constant 2 : i32
    %mul3A_0 = arith.muli %arg1, %mul3A : i32
    %add3A = arith.addi %mul3A_0, %arg0 : i32
    %mul3A_1 = arith.constant 512 : i32
    %mul3A_2 = arith.muli %add3A, %mul3A_1 : i32
    "tpu.region"() ({
      %run_scoped3A = tpu.sem_alloc : memref<!tpu.dma_semaphore, #tpu.memory_space<semaphore_mem>>
      %dma_start3A_297 = tpu.memref_slice %arg2[%mul3A_2] : memref<16384xi32, #tpu.memory_space<hbm>> -> memref<512xi32, #tpu.memory_space<hbm>>
      %dma_start3A_298 = tpu.memref_slice %arg2[%mul3A_2] : memref<16384xi32, #tpu.memory_space<hbm>> -> memref<512xi32, #tpu.memory_space<hbm>>
      tpu.enqueue_dma source(%dma_start3A_298 : memref<512xi32, #tpu.memory_space<hbm>>) target(%arg8 : memref<512xi32, #tpu.memory_space<vmem>>) target_semaphore(%run_scoped3A : memref<!tpu.dma_semaphore, #tpu.memory_space<semaphore_mem>>)
      %dma_wait3A_299 = tpu.memref_slice %arg2[%mul3A_2] : memref<16384xi32, #tpu.memory_space<hbm>> -> memref<512xi32, #tpu.memory_space<hbm>>
      %dma_wait3A_300 = tpu.memref_slice %arg2[%mul3A_2] : memref<16384xi32, #tpu.memory_space<hbm>> -> memref<512xi32, #tpu.memory_space<hbm>>
      tpu.wait_dma2 semaphore(%run_scoped3A : memref<!tpu.dma_semaphore, #tpu.memory_space<semaphore_mem>>) src(%dma_wait3A_300 : memref<512xi32, #tpu.memory_space<hbm>>) dst(%arg8 : memref<512xi32, #tpu.memory_space<vmem>>)
      tpu.yield
    }) : () -> ()
    "tpu.region"() ({
      %run_scoped3A = tpu.sem_alloc : memref<!tpu.dma_semaphore, #tpu.memory_space<semaphore_mem>>
      %dma_start3A_297 = tpu.memref_slice %arg3[%mul3A_2] : memref<16384xi32, #tpu.memory_space<hbm>> -> memref<512xi32, #tpu.memory_space<hbm>>
      %dma_start3A_298 = tpu.memref_slice %arg3[%mul3A_2] : memref<16384xi32, #tpu.memory_space<hbm>> -> memref<512xi32, #tpu.memory_space<hbm>>
      tpu.enqueue_dma source(%dma_start3A_298 : memref<512xi32, #tpu.memory_space<hbm>>) target(%arg9 : memref<512xi32, #tpu.memory_space<vmem>>) target_semaphore(%run_scoped3A : memref<!tpu.dma_semaphore, #tpu.memory_space<semaphore_mem>>)
      %dma_wait3A_299 = tpu.memref_slice %arg3[%mul3A_2] : memref<16384xi32, #tpu.memory_space<hbm>> -> memref<512xi32, #tpu.memory_space<hbm>>
      %dma_wait3A_300 = tpu.memref_slice %arg3[%mul3A_2] : memref<16384xi32, #tpu.memory_space<hbm>> -> memref<512xi32, #tpu.memory_space<hbm>>
      tpu.wait_dma2 semaphore(%run_scoped3A : memref<!tpu.dma_semaphore, #tpu.memory_space<semaphore_mem>>) src(%dma_wait3A_300 : memref<512xi32, #tpu.memory_space<hbm>>) dst(%arg9 : memref<512xi32, #tpu.memory_space<vmem>>)
      tpu.yield
    }) : () -> ()
    %dma_start3A = arith.constant 0 : i32
    %dma_start3A_3 = arith.constant 0 : i32
    %dma_start3A_4 = tpu.memref_slice %arg10[%dma_start3A, %dma_start3A_3] : memref<256x128xf32, #tpu.memory_space<vmem>> -> memref<128x128xf32, #tpu.memory_space<vmem>>
    %dma_start3A_5 = arith.constant 0 : i32
    %dma_start3A_6 = tpu.memref_slice %arg8[%dma_start3A_5] : memref<512xi32, #tpu.memory_space<vmem>> -> memref<128xi32, #tpu.memory_space<vmem>>
    %dma_start3A_7 = arith.constant 0 : i32
    %dma_start3A_8 = arith.constant 0 : i32
    %dma_start3A_9 = tpu.memref_slice %arg4[%dma_start3A_7, %dma_start3A_8] : memref<100000x128xf32, #tpu.memory_space<hbm>> -> memref<100000x128xf32, #tpu.memory_space<hbm>>
    tpu.enqueue_indirect_dma source(%dma_start3A_9 : memref<100000x128xf32, #tpu.memory_space<hbm>>) target(%dma_start3A_4 : memref<128x128xf32, #tpu.memory_space<vmem>>) offsets(%dma_start3A_6 : memref<128xi32, #tpu.memory_space<vmem>>) semaphore(%arg12 : memref<!tpu.dma_semaphore, #tpu.memory_space<semaphore_mem>>)
    %dma_start3A_10 = arith.constant 0 : i32
    %dma_start3A_11 = arith.constant 0 : i32
    %dma_start3A_12 = tpu.memref_slice %arg11[%dma_start3A_10, %dma_start3A_11] : memref<256x128xf32, #tpu.memory_space<vmem>> -> memref<128x128xf32, #tpu.memory_space<vmem>>
    %dma_start3A_13 = arith.constant 0 : i32
    %dma_start3A_14 = tpu.memref_slice %arg9[%dma_start3A_13] : memref<512xi32, #tpu.memory_space<vmem>> -> memref<128xi32, #tpu.memory_space<vmem>>
    %dma_start3A_15 = arith.constant 0 : i32
    %dma_start3A_16 = arith.constant 0 : i32
    %dma_start3A_17 = tpu.memref_slice %arg5[%dma_start3A_15, %dma_start3A_16] : memref<1000x128xf32, #tpu.memory_space<hbm>> -> memref<1000x128xf32, #tpu.memory_space<hbm>>
    tpu.enqueue_indirect_dma source(%dma_start3A_17 : memref<1000x128xf32, #tpu.memory_space<hbm>>) target(%dma_start3A_12 : memref<128x128xf32, #tpu.memory_space<vmem>>) offsets(%dma_start3A_14 : memref<128xi32, #tpu.memory_space<vmem>>) semaphore(%arg13 : memref<!tpu.dma_semaphore, #tpu.memory_space<semaphore_mem>>)
    %dma_wait3A = arith.constant 0 : i32
    %dma_wait3A_18 = arith.constant 0 : i32
    %dma_wait3A_19 = tpu.memref_slice %arg10[%dma_wait3A, %dma_wait3A_18] : memref<256x128xf32, #tpu.memory_space<vmem>> -> memref<128x128xf32, #tpu.memory_space<vmem>>
    %dma_wait3A_20 = arith.constant 0 : i32
    %dma_wait3A_21 = tpu.memref_slice %arg8[%dma_wait3A_20] : memref<512xi32, #tpu.memory_space<vmem>> -> memref<128xi32, #tpu.memory_space<vmem>>
    %dma_wait3A_22 = arith.constant 0 : i32
    %dma_wait3A_23 = arith.constant 0 : i32
    %dma_wait3A_24 = tpu.memref_slice %arg4[%dma_wait3A_22, %dma_wait3A_23] : memref<100000x128xf32, #tpu.memory_space<hbm>> -> memref<100000x128xf32, #tpu.memory_space<hbm>>
    tpu.wait_indirect_dma semaphore(%arg12 : memref<!tpu.dma_semaphore, #tpu.memory_space<semaphore_mem>>) src(%dma_wait3A_24 : memref<100000x128xf32, #tpu.memory_space<hbm>>) dst(%dma_wait3A_19 : memref<128x128xf32, #tpu.memory_space<vmem>>)
    %dma_wait3A_25 = arith.constant 0 : i32
    %dma_wait3A_26 = arith.constant 0 : i32
    %dma_wait3A_27 = tpu.memref_slice %arg11[%dma_wait3A_25, %dma_wait3A_26] : memref<256x128xf32, #tpu.memory_space<vmem>> -> memref<128x128xf32, #tpu.memory_space<vmem>>
    %dma_wait3A_28 = arith.constant 0 : i32
    %dma_wait3A_29 = tpu.memref_slice %arg9[%dma_wait3A_28] : memref<512xi32, #tpu.memory_space<vmem>> -> memref<128xi32, #tpu.memory_space<vmem>>
    %dma_wait3A_30 = arith.constant 0 : i32
    %dma_wait3A_31 = arith.constant 0 : i32
    %dma_wait3A_32 = tpu.memref_slice %arg5[%dma_wait3A_30, %dma_wait3A_31] : memref<1000x128xf32, #tpu.memory_space<hbm>> -> memref<1000x128xf32, #tpu.memory_space<hbm>>
    tpu.wait_indirect_dma semaphore(%arg13 : memref<!tpu.dma_semaphore, #tpu.memory_space<semaphore_mem>>) src(%dma_wait3A_32 : memref<1000x128xf32, #tpu.memory_space<hbm>>) dst(%dma_wait3A_27 : memref<128x128xf32, #tpu.memory_space<vmem>>)
    %add3A_33 = arith.constant 0 : i32
    %add3A_34 = arith.addi %mul3A_2, %add3A_33 : i32
    %dma_start3A_35 = arith.constant 0 : i32
    %dma_start3A_36 = arith.constant 0 : i32
    %dma_start3A_37 = tpu.memref_slice %arg10[%dma_start3A_35, %dma_start3A_36] : memref<256x128xf32, #tpu.memory_space<vmem>> -> memref<128x128xf32, #tpu.memory_space<vmem>>
    %dma_start3A_38 = arith.constant 0 : i32
    %dma_start3A_39 = tpu.memref_slice %arg6[%add3A_34, %dma_start3A_38] : memref<16384x128xf32, #tpu.memory_space<hbm>> -> memref<128x128xf32, #tpu.memory_space<hbm>>
    %dma_start3A_40 = arith.constant 0 : i32
    %dma_start3A_41 = tpu.memref_slice %arg6[%add3A_34, %dma_start3A_40] : memref<16384x128xf32, #tpu.memory_space<hbm>> -> memref<128x128xf32, #tpu.memory_space<hbm>>
    %dma_start3A_42 = arith.constant 0 : i32
    %dma_start3A_43 = arith.constant 0 : i32
    %dma_start3A_44 = tpu.memref_slice %arg10[%dma_start3A_42, %dma_start3A_43] : memref<256x128xf32, #tpu.memory_space<vmem>> -> memref<128x128xf32, #tpu.memory_space<vmem>>
    tpu.enqueue_dma source(%dma_start3A_44 : memref<128x128xf32, #tpu.memory_space<vmem>>) target(%dma_start3A_41 : memref<128x128xf32, #tpu.memory_space<hbm>>) target_semaphore(%arg14 : memref<!tpu.dma_semaphore, #tpu.memory_space<semaphore_mem>>)
    %dma_start3A_45 = arith.constant 0 : i32
    %dma_start3A_46 = arith.constant 0 : i32
    %dma_start3A_47 = tpu.memref_slice %arg11[%dma_start3A_45, %dma_start3A_46] : memref<256x128xf32, #tpu.memory_space<vmem>> -> memref<128x128xf32, #tpu.memory_space<vmem>>
    %dma_start3A_48 = arith.constant 0 : i32
    %dma_start3A_49 = tpu.memref_slice %arg7[%add3A_34, %dma_start3A_48] : memref<16384x128xf32, #tpu.memory_space<hbm>> -> memref<128x128xf32, #tpu.memory_space<hbm>>
    %dma_start3A_50 = arith.constant 0 : i32
    %dma_start3A_51 = tpu.memref_slice %arg7[%add3A_34, %dma_start3A_50] : memref<16384x128xf32, #tpu.memory_space<hbm>> -> memref<128x128xf32, #tpu.memory_space<hbm>>
    %dma_start3A_52 = arith.constant 0 : i32
    %dma_start3A_53 = arith.constant 0 : i32
    %dma_start3A_54 = tpu.memref_slice %arg11[%dma_start3A_52, %dma_start3A_53] : memref<256x128xf32, #tpu.memory_space<vmem>> -> memref<128x128xf32, #tpu.memory_space<vmem>>
    tpu.enqueue_dma source(%dma_start3A_54 : memref<128x128xf32, #tpu.memory_space<vmem>>) target(%dma_start3A_51 : memref<128x128xf32, #tpu.memory_space<hbm>>) target_semaphore(%arg15 : memref<!tpu.dma_semaphore, #tpu.memory_space<semaphore_mem>>)
    %dma_start3A_55 = arith.constant 128 : i32
    %dma_start3A_56 = arith.constant 0 : i32
    %dma_start3A_57 = tpu.memref_slice %arg10[%dma_start3A_55, %dma_start3A_56] : memref<256x128xf32, #tpu.memory_space<vmem>> -> memref<128x128xf32, #tpu.memory_space<vmem>>
    %dma_start3A_58 = arith.constant 128 : i32
    %dma_start3A_59 = tpu.memref_slice %arg8[%dma_start3A_58] : memref<512xi32, #tpu.memory_space<vmem>> -> memref<128xi32, #tpu.memory_space<vmem>>
    %dma_start3A_60 = arith.constant 0 : i32
    %dma_start3A_61 = arith.constant 0 : i32
    %dma_start3A_62 = tpu.memref_slice %arg4[%dma_start3A_60, %dma_start3A_61] : memref<100000x128xf32, #tpu.memory_space<hbm>> -> memref<100000x128xf32, #tpu.memory_space<hbm>>
    tpu.enqueue_indirect_dma source(%dma_start3A_62 : memref<100000x128xf32, #tpu.memory_space<hbm>>) target(%dma_start3A_57 : memref<128x128xf32, #tpu.memory_space<vmem>>) offsets(%dma_start3A_59 : memref<128xi32, #tpu.memory_space<vmem>>) semaphore(%arg12 : memref<!tpu.dma_semaphore, #tpu.memory_space<semaphore_mem>>)
    %dma_start3A_63 = arith.constant 128 : i32
    %dma_start3A_64 = arith.constant 0 : i32
    %dma_start3A_65 = tpu.memref_slice %arg11[%dma_start3A_63, %dma_start3A_64] : memref<256x128xf32, #tpu.memory_space<vmem>> -> memref<128x128xf32, #tpu.memory_space<vmem>>
    %dma_start3A_66 = arith.constant 128 : i32
    %dma_start3A_67 = tpu.memref_slice %arg9[%dma_start3A_66] : memref<512xi32, #tpu.memory_space<vmem>> -> memref<128xi32, #tpu.memory_space<vmem>>
    %dma_start3A_68 = arith.constant 0 : i32
    %dma_start3A_69 = arith.constant 0 : i32
    %dma_start3A_70 = tpu.memref_slice %arg5[%dma_start3A_68, %dma_start3A_69] : memref<1000x128xf32, #tpu.memory_space<hbm>> -> memref<1000x128xf32, #tpu.memory_space<hbm>>
    tpu.enqueue_indirect_dma source(%dma_start3A_70 : memref<1000x128xf32, #tpu.memory_space<hbm>>) target(%dma_start3A_65 : memref<128x128xf32, #tpu.memory_space<vmem>>) offsets(%dma_start3A_67 : memref<128xi32, #tpu.memory_space<vmem>>) semaphore(%arg13 : memref<!tpu.dma_semaphore, #tpu.memory_space<semaphore_mem>>)
    %dma_wait3A_71 = arith.constant 128 : i32
    %dma_wait3A_72 = arith.constant 0 : i32
    %dma_wait3A_73 = tpu.memref_slice %arg10[%dma_wait3A_71, %dma_wait3A_72] : memref<256x128xf32, #tpu.memory_space<vmem>> -> memref<128x128xf32, #tpu.memory_space<vmem>>
    %dma_wait3A_74 = arith.constant 128 : i32
    %dma_wait3A_75 = tpu.memref_slice %arg8[%dma_wait3A_74] : memref<512xi32, #tpu.memory_space<vmem>> -> memref<128xi32, #tpu.memory_space<vmem>>
    %dma_wait3A_76 = arith.constant 0 : i32
    %dma_wait3A_77 = arith.constant 0 : i32
    %dma_wait3A_78 = tpu.memref_slice %arg4[%dma_wait3A_76, %dma_wait3A_77] : memref<100000x128xf32, #tpu.memory_space<hbm>> -> memref<100000x128xf32, #tpu.memory_space<hbm>>
    tpu.wait_indirect_dma semaphore(%arg12 : memref<!tpu.dma_semaphore, #tpu.memory_space<semaphore_mem>>) src(%dma_wait3A_78 : memref<100000x128xf32, #tpu.memory_space<hbm>>) dst(%dma_wait3A_73 : memref<128x128xf32, #tpu.memory_space<vmem>>)
    %dma_wait3A_79 = arith.constant 128 : i32
    %dma_wait3A_80 = arith.constant 0 : i32
    %dma_wait3A_81 = tpu.memref_slice %arg11[%dma_wait3A_79, %dma_wait3A_80] : memref<256x128xf32, #tpu.memory_space<vmem>> -> memref<128x128xf32, #tpu.memory_space<vmem>>
    %dma_wait3A_82 = arith.constant 128 : i32
    %dma_wait3A_83 = tpu.memref_slice %arg9[%dma_wait3A_82] : memref<512xi32, #tpu.memory_space<vmem>> -> memref<128xi32, #tpu.memory_space<vmem>>
    %dma_wait3A_84 = arith.constant 0 : i32
    %dma_wait3A_85 = arith.constant 0 : i32
    %dma_wait3A_86 = tpu.memref_slice %arg5[%dma_wait3A_84, %dma_wait3A_85] : memref<1000x128xf32, #tpu.memory_space<hbm>> -> memref<1000x128xf32, #tpu.memory_space<hbm>>
    tpu.wait_indirect_dma semaphore(%arg13 : memref<!tpu.dma_semaphore, #tpu.memory_space<semaphore_mem>>) src(%dma_wait3A_86 : memref<1000x128xf32, #tpu.memory_space<hbm>>) dst(%dma_wait3A_81 : memref<128x128xf32, #tpu.memory_space<vmem>>)
    %add3A_87 = arith.constant 128 : i32
    %add3A_88 = arith.addi %mul3A_2, %add3A_87 : i32
    %dma_start3A_89 = arith.constant 128 : i32
    %dma_start3A_90 = arith.constant 0 : i32
    %dma_start3A_91 = tpu.memref_slice %arg10[%dma_start3A_89, %dma_start3A_90] : memref<256x128xf32, #tpu.memory_space<vmem>> -> memref<128x128xf32, #tpu.memory_space<vmem>>
    %dma_start3A_92 = arith.constant 0 : i32
    %dma_start3A_93 = tpu.memref_slice %arg6[%add3A_88, %dma_start3A_92] : memref<16384x128xf32, #tpu.memory_space<hbm>> -> memref<128x128xf32, #tpu.memory_space<hbm>>
    %dma_start3A_94 = arith.constant 0 : i32
    %dma_start3A_95 = tpu.memref_slice %arg6[%add3A_88, %dma_start3A_94] : memref<16384x128xf32, #tpu.memory_space<hbm>> -> memref<128x128xf32, #tpu.memory_space<hbm>>
    %dma_start3A_96 = arith.constant 128 : i32
    %dma_start3A_97 = arith.constant 0 : i32
    %dma_start3A_98 = tpu.memref_slice %arg10[%dma_start3A_96, %dma_start3A_97] : memref<256x128xf32, #tpu.memory_space<vmem>> -> memref<128x128xf32, #tpu.memory_space<vmem>>
    tpu.enqueue_dma source(%dma_start3A_98 : memref<128x128xf32, #tpu.memory_space<vmem>>) target(%dma_start3A_95 : memref<128x128xf32, #tpu.memory_space<hbm>>) target_semaphore(%arg14 : memref<!tpu.dma_semaphore, #tpu.memory_space<semaphore_mem>>)
    %dma_start3A_99 = arith.constant 128 : i32
    %dma_start3A_100 = arith.constant 0 : i32
    %dma_start3A_101 = tpu.memref_slice %arg11[%dma_start3A_99, %dma_start3A_100] : memref<256x128xf32, #tpu.memory_space<vmem>> -> memref<128x128xf32, #tpu.memory_space<vmem>>
    %dma_start3A_102 = arith.constant 0 : i32
    %dma_start3A_103 = tpu.memref_slice %arg7[%add3A_88, %dma_start3A_102] : memref<16384x128xf32, #tpu.memory_space<hbm>> -> memref<128x128xf32, #tpu.memory_space<hbm>>
    %dma_start3A_104 = arith.constant 0 : i32
    %dma_start3A_105 = tpu.memref_slice %arg7[%add3A_88, %dma_start3A_104] : memref<16384x128xf32, #tpu.memory_space<hbm>> -> memref<128x128xf32, #tpu.memory_space<hbm>>
    %dma_start3A_106 = arith.constant 128 : i32
    %dma_start3A_107 = arith.constant 0 : i32
    %dma_start3A_108 = tpu.memref_slice %arg11[%dma_start3A_106, %dma_start3A_107] : memref<256x128xf32, #tpu.memory_space<vmem>> -> memref<128x128xf32, #tpu.memory_space<vmem>>
    tpu.enqueue_dma source(%dma_start3A_108 : memref<128x128xf32, #tpu.memory_space<vmem>>) target(%dma_start3A_105 : memref<128x128xf32, #tpu.memory_space<hbm>>) target_semaphore(%arg15 : memref<!tpu.dma_semaphore, #tpu.memory_space<semaphore_mem>>)
    %dma_wait3A_109 = arith.constant 0 : i32
    %dma_wait3A_110 = arith.constant 0 : i32
    %dma_wait3A_111 = tpu.memref_slice %arg10[%dma_wait3A_109, %dma_wait3A_110] : memref<256x128xf32, #tpu.memory_space<vmem>> -> memref<128x128xf32, #tpu.memory_space<vmem>>
    %dma_wait3A_112 = arith.constant 0 : i32
    %dma_wait3A_113 = tpu.memref_slice %arg6[%add3A_34, %dma_wait3A_112] : memref<16384x128xf32, #tpu.memory_space<hbm>> -> memref<128x128xf32, #tpu.memory_space<hbm>>
    %dma_wait3A_114 = arith.constant 0 : i32
    %dma_wait3A_115 = tpu.memref_slice %arg6[%add3A_34, %dma_wait3A_114] : memref<16384x128xf32, #tpu.memory_space<hbm>> -> memref<128x128xf32, #tpu.memory_space<hbm>>
    %dma_wait3A_116 = arith.constant 0 : i32
    %dma_wait3A_117 = arith.constant 0 : i32
    %dma_wait3A_118 = tpu.memref_slice %arg10[%dma_wait3A_116, %dma_wait3A_117] : memref<256x128xf32, #tpu.memory_space<vmem>> -> memref<128x128xf32, #tpu.memory_space<vmem>>
    tpu.wait_dma2 semaphore(%arg14 : memref<!tpu.dma_semaphore, #tpu.memory_space<semaphore_mem>>) src(%dma_wait3A_118 : memref<128x128xf32, #tpu.memory_space<vmem>>) dst(%dma_wait3A_115 : memref<128x128xf32, #tpu.memory_space<hbm>>)
    %dma_wait3A_119 = arith.constant 0 : i32
    %dma_wait3A_120 = arith.constant 0 : i32
    %dma_wait3A_121 = tpu.memref_slice %arg11[%dma_wait3A_119, %dma_wait3A_120] : memref<256x128xf32, #tpu.memory_space<vmem>> -> memref<128x128xf32, #tpu.memory_space<vmem>>
    %dma_wait3A_122 = arith.constant 0 : i32
    %dma_wait3A_123 = tpu.memref_slice %arg7[%add3A_34, %dma_wait3A_122] : memref<16384x128xf32, #tpu.memory_space<hbm>> -> memref<128x128xf32, #tpu.memory_space<hbm>>
    %dma_wait3A_124 = arith.constant 0 : i32
    %dma_wait3A_125 = tpu.memref_slice %arg7[%add3A_34, %dma_wait3A_124] : memref<16384x128xf32, #tpu.memory_space<hbm>> -> memref<128x128xf32, #tpu.memory_space<hbm>>
    %dma_wait3A_126 = arith.constant 0 : i32
    %dma_wait3A_127 = arith.constant 0 : i32
    %dma_wait3A_128 = tpu.memref_slice %arg11[%dma_wait3A_126, %dma_wait3A_127] : memref<256x128xf32, #tpu.memory_space<vmem>> -> memref<128x128xf32, #tpu.memory_space<vmem>>
    tpu.wait_dma2 semaphore(%arg15 : memref<!tpu.dma_semaphore, #tpu.memory_space<semaphore_mem>>) src(%dma_wait3A_128 : memref<128x128xf32, #tpu.memory_space<vmem>>) dst(%dma_wait3A_125 : memref<128x128xf32, #tpu.memory_space<hbm>>)
    %dma_start3A_129 = arith.constant 0 : i32
    %dma_start3A_130 = arith.constant 0 : i32
    %dma_start3A_131 = tpu.memref_slice %arg10[%dma_start3A_129, %dma_start3A_130] : memref<256x128xf32, #tpu.memory_space<vmem>> -> memref<128x128xf32, #tpu.memory_space<vmem>>
    %dma_start3A_132 = arith.constant 256 : i32
    %dma_start3A_133 = tpu.memref_slice %arg8[%dma_start3A_132] : memref<512xi32, #tpu.memory_space<vmem>> -> memref<128xi32, #tpu.memory_space<vmem>>
    %dma_start3A_134 = arith.constant 0 : i32
    %dma_start3A_135 = arith.constant 0 : i32
    %dma_start3A_136 = tpu.memref_slice %arg4[%dma_start3A_134, %dma_start3A_135] : memref<100000x128xf32, #tpu.memory_space<hbm>> -> memref<100000x128xf32, #tpu.memory_space<hbm>>
    tpu.enqueue_indirect_dma source(%dma_start3A_136 : memref<100000x128xf32, #tpu.memory_space<hbm>>) target(%dma_start3A_131 : memref<128x128xf32, #tpu.memory_space<vmem>>) offsets(%dma_start3A_133 : memref<128xi32, #tpu.memory_space<vmem>>) semaphore(%arg12 : memref<!tpu.dma_semaphore, #tpu.memory_space<semaphore_mem>>)
    %dma_start3A_137 = arith.constant 0 : i32
    %dma_start3A_138 = arith.constant 0 : i32
    %dma_start3A_139 = tpu.memref_slice %arg11[%dma_start3A_137, %dma_start3A_138] : memref<256x128xf32, #tpu.memory_space<vmem>> -> memref<128x128xf32, #tpu.memory_space<vmem>>
    %dma_start3A_140 = arith.constant 256 : i32
    %dma_start3A_141 = tpu.memref_slice %arg9[%dma_start3A_140] : memref<512xi32, #tpu.memory_space<vmem>> -> memref<128xi32, #tpu.memory_space<vmem>>
    %dma_start3A_142 = arith.constant 0 : i32
    %dma_start3A_143 = arith.constant 0 : i32
    %dma_start3A_144 = tpu.memref_slice %arg5[%dma_start3A_142, %dma_start3A_143] : memref<1000x128xf32, #tpu.memory_space<hbm>> -> memref<1000x128xf32, #tpu.memory_space<hbm>>
    tpu.enqueue_indirect_dma source(%dma_start3A_144 : memref<1000x128xf32, #tpu.memory_space<hbm>>) target(%dma_start3A_139 : memref<128x128xf32, #tpu.memory_space<vmem>>) offsets(%dma_start3A_141 : memref<128xi32, #tpu.memory_space<vmem>>) semaphore(%arg13 : memref<!tpu.dma_semaphore, #tpu.memory_space<semaphore_mem>>)
    %dma_wait3A_145 = arith.constant 0 : i32
    %dma_wait3A_146 = arith.constant 0 : i32
    %dma_wait3A_147 = tpu.memref_slice %arg10[%dma_wait3A_145, %dma_wait3A_146] : memref<256x128xf32, #tpu.memory_space<vmem>> -> memref<128x128xf32, #tpu.memory_space<vmem>>
    %dma_wait3A_148 = arith.constant 256 : i32
    %dma_wait3A_149 = tpu.memref_slice %arg8[%dma_wait3A_148] : memref<512xi32, #tpu.memory_space<vmem>> -> memref<128xi32, #tpu.memory_space<vmem>>
    %dma_wait3A_150 = arith.constant 0 : i32
    %dma_wait3A_151 = arith.constant 0 : i32
    %dma_wait3A_152 = tpu.memref_slice %arg4[%dma_wait3A_150, %dma_wait3A_151] : memref<100000x128xf32, #tpu.memory_space<hbm>> -> memref<100000x128xf32, #tpu.memory_space<hbm>>
    tpu.wait_indirect_dma semaphore(%arg12 : memref<!tpu.dma_semaphore, #tpu.memory_space<semaphore_mem>>) src(%dma_wait3A_152 : memref<100000x128xf32, #tpu.memory_space<hbm>>) dst(%dma_wait3A_147 : memref<128x128xf32, #tpu.memory_space<vmem>>)
    %dma_wait3A_153 = arith.constant 0 : i32
    %dma_wait3A_154 = arith.constant 0 : i32
    %dma_wait3A_155 = tpu.memref_slice %arg11[%dma_wait3A_153, %dma_wait3A_154] : memref<256x128xf32, #tpu.memory_space<vmem>> -> memref<128x128xf32, #tpu.memory_space<vmem>>
    %dma_wait3A_156 = arith.constant 256 : i32
    %dma_wait3A_157 = tpu.memref_slice %arg9[%dma_wait3A_156] : memref<512xi32, #tpu.memory_space<vmem>> -> memref<128xi32, #tpu.memory_space<vmem>>
    %dma_wait3A_158 = arith.constant 0 : i32
    %dma_wait3A_159 = arith.constant 0 : i32
    %dma_wait3A_160 = tpu.memref_slice %arg5[%dma_wait3A_158, %dma_wait3A_159] : memref<1000x128xf32, #tpu.memory_space<hbm>> -> memref<1000x128xf32, #tpu.memory_space<hbm>>
    tpu.wait_indirect_dma semaphore(%arg13 : memref<!tpu.dma_semaphore, #tpu.memory_space<semaphore_mem>>) src(%dma_wait3A_160 : memref<1000x128xf32, #tpu.memory_space<hbm>>) dst(%dma_wait3A_155 : memref<128x128xf32, #tpu.memory_space<vmem>>)
    %add3A_161 = arith.constant 256 : i32
    %add3A_162 = arith.addi %mul3A_2, %add3A_161 : i32
    %dma_start3A_163 = arith.constant 0 : i32
    %dma_start3A_164 = arith.constant 0 : i32
    %dma_start3A_165 = tpu.memref_slice %arg10[%dma_start3A_163, %dma_start3A_164] : memref<256x128xf32, #tpu.memory_space<vmem>> -> memref<128x128xf32, #tpu.memory_space<vmem>>
    %dma_start3A_166 = arith.constant 0 : i32
    %dma_start3A_167 = tpu.memref_slice %arg6[%add3A_162, %dma_start3A_166] : memref<16384x128xf32, #tpu.memory_space<hbm>> -> memref<128x128xf32, #tpu.memory_space<hbm>>
    %dma_start3A_168 = arith.constant 0 : i32
    %dma_start3A_169 = tpu.memref_slice %arg6[%add3A_162, %dma_start3A_168] : memref<16384x128xf32, #tpu.memory_space<hbm>> -> memref<128x128xf32, #tpu.memory_space<hbm>>
    %dma_start3A_170 = arith.constant 0 : i32
    %dma_start3A_171 = arith.constant 0 : i32
    %dma_start3A_172 = tpu.memref_slice %arg10[%dma_start3A_170, %dma_start3A_171] : memref<256x128xf32, #tpu.memory_space<vmem>> -> memref<128x128xf32, #tpu.memory_space<vmem>>
    tpu.enqueue_dma source(%dma_start3A_172 : memref<128x128xf32, #tpu.memory_space<vmem>>) target(%dma_start3A_169 : memref<128x128xf32, #tpu.memory_space<hbm>>) target_semaphore(%arg14 : memref<!tpu.dma_semaphore, #tpu.memory_space<semaphore_mem>>)
    %dma_start3A_173 = arith.constant 0 : i32
    %dma_start3A_174 = arith.constant 0 : i32
    %dma_start3A_175 = tpu.memref_slice %arg11[%dma_start3A_173, %dma_start3A_174] : memref<256x128xf32, #tpu.memory_space<vmem>> -> memref<128x128xf32, #tpu.memory_space<vmem>>
    %dma_start3A_176 = arith.constant 0 : i32
    %dma_start3A_177 = tpu.memref_slice %arg7[%add3A_162, %dma_start3A_176] : memref<16384x128xf32, #tpu.memory_space<hbm>> -> memref<128x128xf32, #tpu.memory_space<hbm>>
    %dma_start3A_178 = arith.constant 0 : i32
    %dma_start3A_179 = tpu.memref_slice %arg7[%add3A_162, %dma_start3A_178] : memref<16384x128xf32, #tpu.memory_space<hbm>> -> memref<128x128xf32, #tpu.memory_space<hbm>>
    %dma_start3A_180 = arith.constant 0 : i32
    %dma_start3A_181 = arith.constant 0 : i32
    %dma_start3A_182 = tpu.memref_slice %arg11[%dma_start3A_180, %dma_start3A_181] : memref<256x128xf32, #tpu.memory_space<vmem>> -> memref<128x128xf32, #tpu.memory_space<vmem>>
    tpu.enqueue_dma source(%dma_start3A_182 : memref<128x128xf32, #tpu.memory_space<vmem>>) target(%dma_start3A_179 : memref<128x128xf32, #tpu.memory_space<hbm>>) target_semaphore(%arg15 : memref<!tpu.dma_semaphore, #tpu.memory_space<semaphore_mem>>)
    %dma_wait3A_183 = arith.constant 128 : i32
    %dma_wait3A_184 = arith.constant 0 : i32
    %dma_wait3A_185 = tpu.memref_slice %arg10[%dma_wait3A_183, %dma_wait3A_184] : memref<256x128xf32, #tpu.memory_space<vmem>> -> memref<128x128xf32, #tpu.memory_space<vmem>>
    %dma_wait3A_186 = arith.constant 0 : i32
    %dma_wait3A_187 = tpu.memref_slice %arg6[%add3A_88, %dma_wait3A_186] : memref<16384x128xf32, #tpu.memory_space<hbm>> -> memref<128x128xf32, #tpu.memory_space<hbm>>
    %dma_wait3A_188 = arith.constant 0 : i32
    %dma_wait3A_189 = tpu.memref_slice %arg6[%add3A_88, %dma_wait3A_188] : memref<16384x128xf32, #tpu.memory_space<hbm>> -> memref<128x128xf32, #tpu.memory_space<hbm>>
    %dma_wait3A_190 = arith.constant 128 : i32
    %dma_wait3A_191 = arith.constant 0 : i32
    %dma_wait3A_192 = tpu.memref_slice %arg10[%dma_wait3A_190, %dma_wait3A_191] : memref<256x128xf32, #tpu.memory_space<vmem>> -> memref<128x128xf32, #tpu.memory_space<vmem>>
    tpu.wait_dma2 semaphore(%arg14 : memref<!tpu.dma_semaphore, #tpu.memory_space<semaphore_mem>>) src(%dma_wait3A_192 : memref<128x128xf32, #tpu.memory_space<vmem>>) dst(%dma_wait3A_189 : memref<128x128xf32, #tpu.memory_space<hbm>>)
    %dma_wait3A_193 = arith.constant 128 : i32
    %dma_wait3A_194 = arith.constant 0 : i32
    %dma_wait3A_195 = tpu.memref_slice %arg11[%dma_wait3A_193, %dma_wait3A_194] : memref<256x128xf32, #tpu.memory_space<vmem>> -> memref<128x128xf32, #tpu.memory_space<vmem>>
    %dma_wait3A_196 = arith.constant 0 : i32
    %dma_wait3A_197 = tpu.memref_slice %arg7[%add3A_88, %dma_wait3A_196] : memref<16384x128xf32, #tpu.memory_space<hbm>> -> memref<128x128xf32, #tpu.memory_space<hbm>>
    %dma_wait3A_198 = arith.constant 0 : i32
    %dma_wait3A_199 = tpu.memref_slice %arg7[%add3A_88, %dma_wait3A_198] : memref<16384x128xf32, #tpu.memory_space<hbm>> -> memref<128x128xf32, #tpu.memory_space<hbm>>
    %dma_wait3A_200 = arith.constant 128 : i32
    %dma_wait3A_201 = arith.constant 0 : i32
    %dma_wait3A_202 = tpu.memref_slice %arg11[%dma_wait3A_200, %dma_wait3A_201] : memref<256x128xf32, #tpu.memory_space<vmem>> -> memref<128x128xf32, #tpu.memory_space<vmem>>
    tpu.wait_dma2 semaphore(%arg15 : memref<!tpu.dma_semaphore, #tpu.memory_space<semaphore_mem>>) src(%dma_wait3A_202 : memref<128x128xf32, #tpu.memory_space<vmem>>) dst(%dma_wait3A_199 : memref<128x128xf32, #tpu.memory_space<hbm>>)
    %dma_start3A_203 = arith.constant 128 : i32
    %dma_start3A_204 = arith.constant 0 : i32
    %dma_start3A_205 = tpu.memref_slice %arg10[%dma_start3A_203, %dma_start3A_204] : memref<256x128xf32, #tpu.memory_space<vmem>> -> memref<128x128xf32, #tpu.memory_space<vmem>>
    %dma_start3A_206 = arith.constant 384 : i32
    %dma_start3A_207 = tpu.memref_slice %arg8[%dma_start3A_206] : memref<512xi32, #tpu.memory_space<vmem>> -> memref<128xi32, #tpu.memory_space<vmem>>
    %dma_start3A_208 = arith.constant 0 : i32
    %dma_start3A_209 = arith.constant 0 : i32
    %dma_start3A_210 = tpu.memref_slice %arg4[%dma_start3A_208, %dma_start3A_209] : memref<100000x128xf32, #tpu.memory_space<hbm>> -> memref<100000x128xf32, #tpu.memory_space<hbm>>
    tpu.enqueue_indirect_dma source(%dma_start3A_210 : memref<100000x128xf32, #tpu.memory_space<hbm>>) target(%dma_start3A_205 : memref<128x128xf32, #tpu.memory_space<vmem>>) offsets(%dma_start3A_207 : memref<128xi32, #tpu.memory_space<vmem>>) semaphore(%arg12 : memref<!tpu.dma_semaphore, #tpu.memory_space<semaphore_mem>>)
    %dma_start3A_211 = arith.constant 128 : i32
    %dma_start3A_212 = arith.constant 0 : i32
    %dma_start3A_213 = tpu.memref_slice %arg11[%dma_start3A_211, %dma_start3A_212] : memref<256x128xf32, #tpu.memory_space<vmem>> -> memref<128x128xf32, #tpu.memory_space<vmem>>
    %dma_start3A_214 = arith.constant 384 : i32
    %dma_start3A_215 = tpu.memref_slice %arg9[%dma_start3A_214] : memref<512xi32, #tpu.memory_space<vmem>> -> memref<128xi32, #tpu.memory_space<vmem>>
    %dma_start3A_216 = arith.constant 0 : i32
    %dma_start3A_217 = arith.constant 0 : i32
    %dma_start3A_218 = tpu.memref_slice %arg5[%dma_start3A_216, %dma_start3A_217] : memref<1000x128xf32, #tpu.memory_space<hbm>> -> memref<1000x128xf32, #tpu.memory_space<hbm>>
    tpu.enqueue_indirect_dma source(%dma_start3A_218 : memref<1000x128xf32, #tpu.memory_space<hbm>>) target(%dma_start3A_213 : memref<128x128xf32, #tpu.memory_space<vmem>>) offsets(%dma_start3A_215 : memref<128xi32, #tpu.memory_space<vmem>>) semaphore(%arg13 : memref<!tpu.dma_semaphore, #tpu.memory_space<semaphore_mem>>)
    %dma_wait3A_219 = arith.constant 128 : i32
    %dma_wait3A_220 = arith.constant 0 : i32
    %dma_wait3A_221 = tpu.memref_slice %arg10[%dma_wait3A_219, %dma_wait3A_220] : memref<256x128xf32, #tpu.memory_space<vmem>> -> memref<128x128xf32, #tpu.memory_space<vmem>>
    %dma_wait3A_222 = arith.constant 384 : i32
    %dma_wait3A_223 = tpu.memref_slice %arg8[%dma_wait3A_222] : memref<512xi32, #tpu.memory_space<vmem>> -> memref<128xi32, #tpu.memory_space<vmem>>
    %dma_wait3A_224 = arith.constant 0 : i32
    %dma_wait3A_225 = arith.constant 0 : i32
    %dma_wait3A_226 = tpu.memref_slice %arg4[%dma_wait3A_224, %dma_wait3A_225] : memref<100000x128xf32, #tpu.memory_space<hbm>> -> memref<100000x128xf32, #tpu.memory_space<hbm>>
    tpu.wait_indirect_dma semaphore(%arg12 : memref<!tpu.dma_semaphore, #tpu.memory_space<semaphore_mem>>) src(%dma_wait3A_226 : memref<100000x128xf32, #tpu.memory_space<hbm>>) dst(%dma_wait3A_221 : memref<128x128xf32, #tpu.memory_space<vmem>>)
    %dma_wait3A_227 = arith.constant 128 : i32
    %dma_wait3A_228 = arith.constant 0 : i32
    %dma_wait3A_229 = tpu.memref_slice %arg11[%dma_wait3A_227, %dma_wait3A_228] : memref<256x128xf32, #tpu.memory_space<vmem>> -> memref<128x128xf32, #tpu.memory_space<vmem>>
    %dma_wait3A_230 = arith.constant 384 : i32
    %dma_wait3A_231 = tpu.memref_slice %arg9[%dma_wait3A_230] : memref<512xi32, #tpu.memory_space<vmem>> -> memref<128xi32, #tpu.memory_space<vmem>>
    %dma_wait3A_232 = arith.constant 0 : i32
    %dma_wait3A_233 = arith.constant 0 : i32
    %dma_wait3A_234 = tpu.memref_slice %arg5[%dma_wait3A_232, %dma_wait3A_233] : memref<1000x128xf32, #tpu.memory_space<hbm>> -> memref<1000x128xf32, #tpu.memory_space<hbm>>
    tpu.wait_indirect_dma semaphore(%arg13 : memref<!tpu.dma_semaphore, #tpu.memory_space<semaphore_mem>>) src(%dma_wait3A_234 : memref<1000x128xf32, #tpu.memory_space<hbm>>) dst(%dma_wait3A_229 : memref<128x128xf32, #tpu.memory_space<vmem>>)
    %add3A_235 = arith.constant 384 : i32
    %add3A_236 = arith.addi %mul3A_2, %add3A_235 : i32
    %dma_start3A_237 = arith.constant 128 : i32
    %dma_start3A_238 = arith.constant 0 : i32
    %dma_start3A_239 = tpu.memref_slice %arg10[%dma_start3A_237, %dma_start3A_238] : memref<256x128xf32, #tpu.memory_space<vmem>> -> memref<128x128xf32, #tpu.memory_space<vmem>>
    %dma_start3A_240 = arith.constant 0 : i32
    %dma_start3A_241 = tpu.memref_slice %arg6[%add3A_236, %dma_start3A_240] : memref<16384x128xf32, #tpu.memory_space<hbm>> -> memref<128x128xf32, #tpu.memory_space<hbm>>
    %dma_start3A_242 = arith.constant 0 : i32
    %dma_start3A_243 = tpu.memref_slice %arg6[%add3A_236, %dma_start3A_242] : memref<16384x128xf32, #tpu.memory_space<hbm>> -> memref<128x128xf32, #tpu.memory_space<hbm>>
    %dma_start3A_244 = arith.constant 128 : i32
    %dma_start3A_245 = arith.constant 0 : i32
    %dma_start3A_246 = tpu.memref_slice %arg10[%dma_start3A_244, %dma_start3A_245] : memref<256x128xf32, #tpu.memory_space<vmem>> -> memref<128x128xf32, #tpu.memory_space<vmem>>
    tpu.enqueue_dma source(%dma_start3A_246 : memref<128x128xf32, #tpu.memory_space<vmem>>) target(%dma_start3A_243 : memref<128x128xf32, #tpu.memory_space<hbm>>) target_semaphore(%arg14 : memref<!tpu.dma_semaphore, #tpu.memory_space<semaphore_mem>>)
    %dma_start3A_247 = arith.constant 128 : i32
    %dma_start3A_248 = arith.constant 0 : i32
    %dma_start3A_249 = tpu.memref_slice %arg11[%dma_start3A_247, %dma_start3A_248] : memref<256x128xf32, #tpu.memory_space<vmem>> -> memref<128x128xf32, #tpu.memory_space<vmem>>
    %dma_start3A_250 = arith.constant 0 : i32
    %dma_start3A_251 = tpu.memref_slice %arg7[%add3A_236, %dma_start3A_250] : memref<16384x128xf32, #tpu.memory_space<hbm>> -> memref<128x128xf32, #tpu.memory_space<hbm>>
    %dma_start3A_252 = arith.constant 0 : i32
    %dma_start3A_253 = tpu.memref_slice %arg7[%add3A_236, %dma_start3A_252] : memref<16384x128xf32, #tpu.memory_space<hbm>> -> memref<128x128xf32, #tpu.memory_space<hbm>>
    %dma_start3A_254 = arith.constant 128 : i32
    %dma_start3A_255 = arith.constant 0 : i32
    %dma_start3A_256 = tpu.memref_slice %arg11[%dma_start3A_254, %dma_start3A_255] : memref<256x128xf32, #tpu.memory_space<vmem>> -> memref<128x128xf32, #tpu.memory_space<vmem>>
    tpu.enqueue_dma source(%dma_start3A_256 : memref<128x128xf32, #tpu.memory_space<vmem>>) target(%dma_start3A_253 : memref<128x128xf32, #tpu.memory_space<hbm>>) target_semaphore(%arg15 : memref<!tpu.dma_semaphore, #tpu.memory_space<semaphore_mem>>)
    %dma_wait3A_257 = arith.constant 0 : i32
    %dma_wait3A_258 = arith.constant 0 : i32
    %dma_wait3A_259 = tpu.memref_slice %arg10[%dma_wait3A_257, %dma_wait3A_258] : memref<256x128xf32, #tpu.memory_space<vmem>> -> memref<128x128xf32, #tpu.memory_space<vmem>>
    %dma_wait3A_260 = arith.constant 0 : i32
    %dma_wait3A_261 = tpu.memref_slice %arg6[%add3A_162, %dma_wait3A_260] : memref<16384x128xf32, #tpu.memory_space<hbm>> -> memref<128x128xf32, #tpu.memory_space<hbm>>
    %dma_wait3A_262 = arith.constant 0 : i32
    %dma_wait3A_263 = tpu.memref_slice %arg6[%add3A_162, %dma_wait3A_262] : memref<16384x128xf32, #tpu.memory_space<hbm>> -> memref<128x128xf32, #tpu.memory_space<hbm>>
    %dma_wait3A_264 = arith.constant 0 : i32
    %dma_wait3A_265 = arith.constant 0 : i32
    %dma_wait3A_266 = tpu.memref_slice %arg10[%dma_wait3A_264, %dma_wait3A_265] : memref<256x128xf32, #tpu.memory_space<vmem>> -> memref<128x128xf32, #tpu.memory_space<vmem>>
    tpu.wait_dma2 semaphore(%arg14 : memref<!tpu.dma_semaphore, #tpu.memory_space<semaphore_mem>>) src(%dma_wait3A_266 : memref<128x128xf32, #tpu.memory_space<vmem>>) dst(%dma_wait3A_263 : memref<128x128xf32, #tpu.memory_space<hbm>>)
    %dma_wait3A_267 = arith.constant 0 : i32
    %dma_wait3A_268 = arith.constant 0 : i32
    %dma_wait3A_269 = tpu.memref_slice %arg11[%dma_wait3A_267, %dma_wait3A_268] : memref<256x128xf32, #tpu.memory_space<vmem>> -> memref<128x128xf32, #tpu.memory_space<vmem>>
    %dma_wait3A_270 = arith.constant 0 : i32
    %dma_wait3A_271 = tpu.memref_slice %arg7[%add3A_162, %dma_wait3A_270] : memref<16384x128xf32, #tpu.memory_space<hbm>> -> memref<128x128xf32, #tpu.memory_space<hbm>>
    %dma_wait3A_272 = arith.constant 0 : i32
    %dma_wait3A_273 = tpu.memref_slice %arg7[%add3A_162, %dma_wait3A_272] : memref<16384x128xf32, #tpu.memory_space<hbm>> -> memref<128x128xf32, #tpu.memory_space<hbm>>
    %dma_wait3A_274 = arith.constant 0 : i32
    %dma_wait3A_275 = arith.constant 0 : i32
    %dma_wait3A_276 = tpu.memref_slice %arg11[%dma_wait3A_274, %dma_wait3A_275] : memref<256x128xf32, #tpu.memory_space<vmem>> -> memref<128x128xf32, #tpu.memory_space<vmem>>
    tpu.wait_dma2 semaphore(%arg15 : memref<!tpu.dma_semaphore, #tpu.memory_space<semaphore_mem>>) src(%dma_wait3A_276 : memref<128x128xf32, #tpu.memory_space<vmem>>) dst(%dma_wait3A_273 : memref<128x128xf32, #tpu.memory_space<hbm>>)
    %dma_wait3A_277 = arith.constant 128 : i32
    %dma_wait3A_278 = arith.constant 0 : i32
    %dma_wait3A_279 = tpu.memref_slice %arg10[%dma_wait3A_277, %dma_wait3A_278] : memref<256x128xf32, #tpu.memory_space<vmem>> -> memref<128x128xf32, #tpu.memory_space<vmem>>
    %dma_wait3A_280 = arith.constant 0 : i32
    %dma_wait3A_281 = tpu.memref_slice %arg6[%add3A_236, %dma_wait3A_280] : memref<16384x128xf32, #tpu.memory_space<hbm>> -> memref<128x128xf32, #tpu.memory_space<hbm>>
    %dma_wait3A_282 = arith.constant 0 : i32
    %dma_wait3A_283 = tpu.memref_slice %arg6[%add3A_236, %dma_wait3A_282] : memref<16384x128xf32, #tpu.memory_space<hbm>> -> memref<128x128xf32, #tpu.memory_space<hbm>>
    %dma_wait3A_284 = arith.constant 128 : i32
    %dma_wait3A_285 = arith.constant 0 : i32
    %dma_wait3A_286 = tpu.memref_slice %arg10[%dma_wait3A_284, %dma_wait3A_285] : memref<256x128xf32, #tpu.memory_space<vmem>> -> memref<128x128xf32, #tpu.memory_space<vmem>>
    tpu.wait_dma2 semaphore(%arg14 : memref<!tpu.dma_semaphore, #tpu.memory_space<semaphore_mem>>) src(%dma_wait3A_286 : memref<128x128xf32, #tpu.memory_space<vmem>>) dst(%dma_wait3A_283 : memref<128x128xf32, #tpu.memory_space<hbm>>)
    %dma_wait3A_287 = arith.constant 128 : i32
    %dma_wait3A_288 = arith.constant 0 : i32
    %dma_wait3A_289 = tpu.memref_slice %arg11[%dma_wait3A_287, %dma_wait3A_288] : memref<256x128xf32, #tpu.memory_space<vmem>> -> memref<128x128xf32, #tpu.memory_space<vmem>>
    %dma_wait3A_290 = arith.constant 0 : i32
    %dma_wait3A_291 = tpu.memref_slice %arg7[%add3A_236, %dma_wait3A_290] : memref<16384x128xf32, #tpu.memory_space<hbm>> -> memref<128x128xf32, #tpu.memory_space<hbm>>
    %dma_wait3A_292 = arith.constant 0 : i32
    %dma_wait3A_293 = tpu.memref_slice %arg7[%add3A_236, %dma_wait3A_292] : memref<16384x128xf32, #tpu.memory_space<hbm>> -> memref<128x128xf32, #tpu.memory_space<hbm>>
    %dma_wait3A_294 = arith.constant 128 : i32
    %dma_wait3A_295 = arith.constant 0 : i32
    %dma_wait3A_296 = tpu.memref_slice %arg11[%dma_wait3A_294, %dma_wait3A_295] : memref<256x128xf32, #tpu.memory_space<vmem>> -> memref<128x128xf32, #tpu.memory_space<vmem>>
    tpu.wait_dma2 semaphore(%arg15 : memref<!tpu.dma_semaphore, #tpu.memory_space<semaphore_mem>>) src(%dma_wait3A_296 : memref<128x128xf32, #tpu.memory_space<vmem>>) dst(%dma_wait3A_293 : memref<128x128xf32, #tpu.memory_space<hbm>>)
    return
  }
}

module attributes {stable_mosaic.version = 14 : i64} {
  func.func @_fuse_cat_body(%arg0: i32, %arg1: memref<64x1000xf32, #tpu.memory_space<vmem>>, %arg2: memref<64x128xf32, #tpu.memory_space<vmem>>, %arg3: memref<1x128xf32, #tpu.memory_space<vmem>>, %arg4: memref<1000x128xf32, #tpu.memory_space<vmem>>) attributes {dimension_semantics = [#tpu.dimension_semantics<arbitrary>], iteration_bounds = array<i64: 1>, scalar_prefetch = 0 : i64, scratch_operands = 0 : i64, tpu.core_type = #tpu.core_type<tc>, window_params = [{pipeline_mode = #tpu.pipeline_mode<synchronous>, transform_indices = @transform_0, window_bounds = array<i64: 64, 1000>}, {transform_indices = @transform_1, window_bounds = array<i64: 64, 128>}, {pipeline_mode = #tpu.pipeline_mode<synchronous>, transform_indices = @transform_2, window_bounds = array<i64: 1, 128>}, {pipeline_mode = #tpu.pipeline_mode<synchronous>, transform_indices = @transform_3, window_bounds = array<i64: 1000, 128>}]} {
    %get3A = arith.constant 0 : index
    %get3A_0 = arith.constant 0 : index
    %get3A_1 = vector.load %arg1[%get3A, %get3A_0] : memref<64x1000xf32, #tpu.memory_space<vmem>>, vector<64x1000xf32>
    %get3A_2 = arith.constant 0 : index
    %get3A_3 = arith.constant 0 : index
    %get3A_4 = vector.load %arg2[%get3A_2, %get3A_3] : memref<64x128xf32, #tpu.memory_space<vmem>>, vector<64x128xf32>
    %dot_general3A = arith.constant dense<0.000000e+00> : vector<1000x128xf32>
    %dot_general3A_5 = tpu.matmul %get3A_1, %get3A_4, %dot_general3A {dimension_numbers = #tpu.dot_dimension_numbers<[0], [0], [1], [1], [0, 1, 1, 1], [], []>, transpose_lhs_hint = false} : vector<64x1000xf32>, vector<64x128xf32>, vector<1000x128xf32> -> vector<1000x128xf32>
    %get3A_6 = arith.constant 0 : index
    %get3A_7 = arith.constant 0 : index
    %get3A_8 = vector.load %arg3[%get3A_6, %get3A_7] : memref<1x128xf32, #tpu.memory_space<vmem>>, vector<1x128xf32>
    %add3A = vector.broadcast %get3A_8 : vector<1x128xf32> to vector<1000x128xf32>
    %add3A_9 = arith.addf %dot_general3A_5, %add3A : vector<1000x128xf32>
    %swap3A = arith.constant 0 : index
    %swap3A_10 = arith.constant 0 : index
    %swap3A_11 = vector.load %arg4[%swap3A, %swap3A_10] : memref<1000x128xf32, #tpu.memory_space<vmem>>, vector<1000x128xf32>
    tpu.vector_store %arg4[%swap3A, %swap3A_10], %add3A_9 {strides = array<i32>} : memref<1000x128xf32, #tpu.memory_space<vmem>>, vector<1000x128xf32>,
    return
  }
  func.func @transform_0(%arg0: i32) -> (i32, i32) {
    %c0_i32 = arith.constant 0 : i32
    %c0_i32_0 = arith.constant 0 : i32
    %c0_i32_1 = arith.constant 0 : i32
    return %c0_i32, %c0_i32_0 : i32, i32
  }
  func.func @transform_1(%arg0: i32) -> (i32, i32) {
    %c0_i32 = arith.constant 0 : i32
    %c0_i32_0 = arith.constant 0 : i32
    %c0_i32_1 = arith.constant 0 : i32
    return %c0_i32, %c0_i32_0 : i32, i32
  }
  func.func @transform_2(%arg0: i32) -> (i32, i32) {
    %c0_i32 = arith.constant 0 : i32
    %c0_i32_0 = arith.constant 0 : i32
    %c0_i32_1 = arith.constant 0 : i32
    return %c0_i32, %c0_i32_0 : i32, i32
  }
  func.func @transform_3(%arg0: i32) -> (i32, i32) {
    %c0_i32 = arith.constant 0 : i32
    %c0_i32_0 = arith.constant 0 : i32
    %c0_i32_1 = arith.constant 0 : i32
    return %c0_i32, %c0_i32_0 : i32, i32
  }
}

module attributes {stable_mosaic.version = 14 : i64} {
  func.func @_mlp_body(%arg0: i32, %arg1: memref<8192x128xf32, #tpu.memory_space<vmem>>, %arg2: memref<8192x128xf32, #tpu.memory_space<vmem>>, %arg3: memref<8x8192xf32, #tpu.memory_space<vmem>>, %arg4: memref<64x128xf32, #tpu.memory_space<vmem>>, %arg5: memref<64x128xf32, #tpu.memory_space<vmem>>, %arg6: memref<8x128xf32, #tpu.memory_space<vmem>>, %arg7: memref<8192x128xf32, #tpu.memory_space<vmem>>) attributes {dimension_semantics = [#tpu.dimension_semantics<arbitrary>], iteration_bounds = array<i64: 2>, scalar_prefetch = 0 : i64, scratch_operands = 0 : i64, tpu.core_type = #tpu.core_type<tc>, window_params = [{transform_indices = @transform_0, window_bounds = array<i64: 8192, 128>}, {transform_indices = @transform_1, window_bounds = array<i64: 8192, 128>}, {transform_indices = @transform_2, window_bounds = array<i64: 8, 8192>}, {transform_indices = @transform_3, window_bounds = array<i64: 64, 128>}, {transform_indices = @transform_4, window_bounds = array<i64: 64, 128>}, {transform_indices = @transform_5, window_bounds = array<i64: 8, 128>}, {transform_indices = @transform_6, window_bounds = array<i64: 8192, 128>}]} {
    %get3A = arith.constant 0 : index
    %get3A_0 = arith.constant 0 : index
    %get3A_1 = vector.load %arg3[%get3A, %get3A_0] : memref<8x8192xf32, #tpu.memory_space<vmem>>, vector<8x8192xf32>
    %iota3A = tpu.iota {dimensions = array<i32: 0>} : vector<8x8192xi32>
    %eq3A = arith.constant 0 : i32
    %eq3A_2 = vector.broadcast %eq3A : i32 to vector<8x8192xi32>
    %eq3A_3 = arith.cmpi eq, %iota3A, %eq3A_2 : vector<8x8192xi32>
    %log1p3A = math.log1p %get3A_1 : vector<8x8192xf32>
    %select_n3A = arith.select %eq3A_3, %log1p3A, %get3A_1 : vector<8x8192xi1>, vector<8x8192xf32>
    %get3A_4 = arith.constant 0 : index
    %get3A_5 = arith.constant 0 : index
    %get3A_6 = vector.load %arg2[%get3A_4, %get3A_5] : memref<8192x128xf32, #tpu.memory_space<vmem>>, vector<8192x128xf32>
    %get3A_7 = arith.constant 0 : index
    %get3A_8 = arith.constant 0 : index
    %get3A_9 = vector.load %arg1[%get3A_7, %get3A_8] : memref<8192x128xf32, #tpu.memory_space<vmem>>, vector<8192x128xf32>
    %slice3A = vector.extract_strided_slice %get3A_6 {offsets = [0, 0], sizes = [8192, 64], strides = [1, 1]} : vector<8192x128xf32> to vector<8192x64xf32>
    %get3A_10 = arith.constant 0 : index
    %get3A_11 = arith.constant 0 : index
    %get3A_12 = vector.load %arg4[%get3A_10, %get3A_11] : memref<64x128xf32, #tpu.memory_space<vmem>>, vector<64x128xf32>
    %dot_general3A = arith.constant dense<0.000000e+00> : vector<8192x128xf32>
    %dot_general3A_13 = tpu.matmul %slice3A, %get3A_12, %dot_general3A {dimension_numbers = #tpu.dot_dimension_numbers<[1], [0], [0], [1], [0, 0, 1, 1], [], []>, transpose_lhs_hint = false} : vector<8192x64xf32>, vector<64x128xf32>, vector<8192x128xf32> -> vector<8192x128xf32>
    %add3A = arith.addf %get3A_9, %dot_general3A_13 : vector<8192x128xf32>
    %slice3A_14 = vector.extract_strided_slice %get3A_6 {offsets = [0, 64], sizes = [8192, 64], strides = [1, 1]} : vector<8192x128xf32> to vector<8192x64xf32>
    %get3A_15 = arith.constant 0 : index
    %get3A_16 = arith.constant 0 : index
    %get3A_17 = vector.load %arg5[%get3A_15, %get3A_16] : memref<64x128xf32, #tpu.memory_space<vmem>>, vector<64x128xf32>
    %dot_general3A_18 = arith.constant dense<0.000000e+00> : vector<8192x128xf32>
    %dot_general3A_19 = tpu.matmul %slice3A_14, %get3A_17, %dot_general3A_18 {dimension_numbers = #tpu.dot_dimension_numbers<[1], [0], [0], [1], [0, 0, 1, 1], [], []>, transpose_lhs_hint = false} : vector<8192x64xf32>, vector<64x128xf32>, vector<8192x128xf32> -> vector<8192x128xf32>
    %add3A_20 = arith.addf %add3A, %dot_general3A_19 : vector<8192x128xf32>
    %get3A_21 = arith.constant 0 : index
    %get3A_22 = arith.constant 0 : index
    %get3A_23 = vector.load %arg6[%get3A_21, %get3A_22] : memref<8x128xf32, #tpu.memory_space<vmem>>, vector<8x128xf32>
    %dot_general3A_24 = arith.constant dense<0.000000e+00> : vector<8192x128xf32>
    %dot_general3A_25 = tpu.matmul %select_n3A, %get3A_23, %dot_general3A_24 {dimension_numbers = #tpu.dot_dimension_numbers<[0], [0], [1], [1], [0, 1, 1, 1], [], []>, transpose_lhs_hint = false} : vector<8x8192xf32>, vector<8x128xf32>, vector<8192x128xf32> -> vector<8192x128xf32>
    %add3A_26 = arith.addf %add3A_20, %dot_general3A_25 : vector<8192x128xf32>
    %mul3A = arith.constant 5.000000e-01 : f32
    %mul3A_27 = vector.broadcast %mul3A : f32 to vector<8192x128xf32>
    %mul3A_28 = arith.mulf %mul3A_27, %add3A_26 : vector<8192x128xf32>
    %mul3A_29 = arith.constant 0.707106769 : f32
    %mul3A_30 = vector.broadcast %mul3A_29 : f32 to vector<8192x128xf32>
    %mul3A_31 = arith.mulf %add3A_26, %mul3A_30 : vector<8192x128xf32>
    %erf3A = math.erf %mul3A_31 : vector<8192x128xf32>
    %add3A_32 = arith.constant 1.000000e+00 : f32
    %add3A_33 = vector.broadcast %add3A_32 : f32 to vector<8192x128xf32>
    %add3A_34 = arith.addf %add3A_33, %erf3A : vector<8192x128xf32>
    %mul3A_35 = arith.mulf %mul3A_28, %add3A_34 : vector<8192x128xf32>
    %swap3A = arith.constant 0 : index
    %swap3A_36 = arith.constant 0 : index
    %swap3A_37 = vector.load %arg7[%swap3A, %swap3A_36] : memref<8192x128xf32, #tpu.memory_space<vmem>>, vector<8192x128xf32>
    tpu.vector_store %arg7[%swap3A, %swap3A_36], %mul3A_35 {strides = array<i32>} : memref<8192x128xf32, #tpu.memory_space<vmem>>, vector<8192x128xf32>,
    return
  }
  func.func @transform_0(%arg0: i32) -> (i32, i32) {
    %c0_i32 = arith.constant 0 : i32
    %c0_i32_0 = arith.constant 0 : i32
    return %arg0, %c0_i32 : i32, i32
  }
  func.func @transform_1(%arg0: i32) -> (i32, i32) {
    %c0_i32 = arith.constant 0 : i32
    %c0_i32_0 = arith.constant 0 : i32
    return %arg0, %c0_i32 : i32, i32
  }
  func.func @transform_2(%arg0: i32) -> (i32, i32) {
    %c0_i32 = arith.constant 0 : i32
    %c0_i32_0 = arith.constant 0 : i32
    return %c0_i32, %arg0 : i32, i32
  }
  func.func @transform_3(%arg0: i32) -> (i32, i32) {
    %c1_i32 = arith.constant 1 : i32
    %c0_i32 = arith.constant 0 : i32
    %c0_i32_0 = arith.constant 0 : i32
    return %c1_i32, %c0_i32 : i32, i32
  }
  func.func @transform_4(%arg0: i32) -> (i32, i32) {
    %c2_i32 = arith.constant 2 : i32
    %c0_i32 = arith.constant 0 : i32
    %c0_i32_0 = arith.constant 0 : i32
    return %c2_i32, %c0_i32 : i32, i32
  }
  func.func @transform_5(%arg0: i32) -> (i32, i32) {
    %c24_i32 = arith.constant 24 : i32
    %c0_i32 = arith.constant 0 : i32
    %c0_i32_0 = arith.constant 0 : i32
    return %c24_i32, %c0_i32 : i32, i32
  }
  func.func @transform_6(%arg0: i32) -> (i32, i32) {
    %c0_i32 = arith.constant 0 : i32
    %c0_i32_0 = arith.constant 0 : i32
    return %arg0, %c0_i32 : i32, i32
  }
}

</mosaic_0001>

<sc_bundles>
// kernel: kernel.5.cloned.1.call-start
scs
__scs_entry_jumppad:
0x0: {  	(pc) =	sbr.rel $0x88, $3  }
0x1: {  	(tag) =	ssettag $0x0;
	lr =	simm.s32 $0x1  }
0x2: {  	[smem:$0x3F97] =	sst lr;
	_ =	strace $0xD0000000  }
0x3: {  	_ = 	snop  }
0x4: {  	_ = 	snop  }
0x5: {  	_ = 	snop  }
0x6: {  	_ = 	snop  }
0x7: {  	_ = 	snop  }
__scs_overlays_trampoline_lowered:
0x8: {  	[smem:$0x3FA6] =	sst s0  }
0x9: {  	[smem:$0x3FA7] =	sst s1  }
0xa: {  	[smem:$0x3FA8] =	sst s2  }
0xb: {  	[smem:$0x3FA9] =	sst s3  }
0xc: {  	[smem:$0x3FAA] =	sst s4  }
0xd: {  	[smem:$0x3FAB] =	sst s5  }
0xe: {  	[smem:$0x3FAC] =	sst s6  }
0xf: {  	[smem:$0x3FAD] =	sst s7  }
0x10: {  	[smem:$0x3FAE] =	sst s8  }
0x11: {  	[smem:$0x3FAF] =	sst s9;
	s0 =	simm.s32 @!p0 $0x0  }
0x12: {  	s1 =	sld [smem:$0x3F95];
	s0 =	simm.s32 @p0 $0x1  }
0x13: {  	[smem:$0x3FB0] =	sst s0;
	s0 =	simm.s32 @!p1 $0x0  }
0x14: {  	s2 =	sld [smem:$0x3F94];
	s0 =	simm.s32 @p1 $0x1  }
0x15: {  	[smem:$0x3FB1] =	sst s0;
	s0 =	simm.s32 @!p2 $0x0  }
0x16: {  	s3 =	sld [smem:$0x3FDB];
	s0 =	simm.s32 @p2 $0x1  }
0x17: {  	s4 =	simm.s32 $0x1BF5;
	[smem:$0x3FB3] =	sst s0  }
0x18: {  	s0 =	sld [smem:$0x3F96];
	_ =	swait.ge [sflag:s4], $0x0  }
0x19: {  	s7 =	sld [smem:$0x3F97]  }
0x1a: {  	s8 =	sadd.s32 $0xFFFFE003, lr  }
0x1b: {  	s9 =	sadd.s32 $0xFFFFFEF7, lr;
	s5 =	simm.s32 $0xFFFFFFFF;
	p2 =	slt.u32 s8, $0xFFFFF086  }
0x1c: {  	p1 =	slt.u32 s9, $0xF7A;
	s5 =	simm.s32 @!p2 $0x0  }
0x1d: {  	s5 =	simm.s32 @p1 $0x1;
	p0 =	seq.s32 s7, s2  }
0x1e: {  	s7 =	smul.u32 @!p0 $0xF7A, s2;
	p2 =	seq.s32 @!p0 s5, $0x0  }
0x1f: {  	s9 =	smul.u32 $0xF7A, s1;
	s8 =	simm.s32 @!p0 $0x1BF5;
	p2 =	por !p2, p0  }
0x20: {  	[sflag:s8] =	ssyncset.s32 @!p0 $0xFFFFF086;
	s6 =	sadd.s32 @!p0 s3, s7;
	s7 =	simm.s32 @!p0 $0x108  }
0x21: {  	s3 =	sadd.s32 s3, s9;
	s6 =	sadd.s32 @!p0 $0x88, s6;
	s7 =	simm.s32 @p2 $0x1082  }
0x22: {  	[simem:s7], [sflag:s8] =	dma.local @!p0 [hbm:s6], $0xF7A  }
0x23: {  	s9 =	sor.u32 $0xD0000000, s2;
	s6 =	simm.s32 $0x108;
	_ =	swait.ge @!p0 [sflag:s8], $0x0  }
0x24: {  	s3 =	sadd.s32 $0x88, s3;
	s6 =	simm.s32 @!p1 $0x1082;
	[sflag:s4] =	ssyncset.s32 $0xFFFFF086  }
0x25: {  	[simem:s6], [sflag:s4] =	dma.local [hbm:s3], $0xF7A  }
0x26: {  	[smem:$0x3F97] =	sst s1;
	(tag) =	ssettag s2;
	_ =	strace s9  }
0x27: {  	s1 =	sld [smem:$0x3FA7]  }
0x28: {  	s2 =	sld [smem:$0x3FA8]  }
0x29: {  	s4 =	sld [smem:$0x3FAA]  }
0x2a: {  	p0 =	seq.s32 s5, $0x0;
	s5 =	sld [smem:$0x3FAB]  }
0x2b: {  	s6 =	sld [smem:$0x3FAC]  }
0x2c: {  	s7 =	sld [smem:$0x3FAD]  }
0x2d: {  	s3 =	simm.s32 $0x108;
	s8 =	sld [smem:$0x3FAE]  }
0x2e: {  	s3 =	simm.s32 @!p0 $0x1082;
	s9 =	sld [smem:$0x3FAF]  }
0x2f: {  	lr =	sadd.s32 s0, s3;
	s0 =	sld [smem:$0x3FA6]  }
0x30: {  	s3 =	sld [smem:$0x3FA9]  }
0x31: {  	[smem:$0x3FB2] =	sst s10  }
0x32: {  	s10 =	sld [smem:$0x3FB0];
	_ =	sdelay $0x3  }
0x33: {  	p0 =	seq.s32 s10, $0x1;
	s10 =	sld [smem:$0x3FB2];
	_ =	sdelay $0x3  }
0x34: {  	[smem:$0x3FB2] =	sst s10  }
0x35: {  	s10 =	sld [smem:$0x3FB1];
	_ =	sdelay $0x3  }
0x36: {  	p1 =	seq.s32 s10, $0x1;
	s10 =	sld [smem:$0x3FB2];
	_ =	sdelay $0x3  }
0x37: {  	[smem:$0x3FB2] =	sst s10  }
0x38: {  	s10 =	sld [smem:$0x3FB3]  }
0x39: {  	_ = 	snop;
	(pc) =	sbr.ind lr, $3  }
0x3a: {  	_ = 	snop  }
0x3b: {  	_ = 	snop  }
0x3c: {  	p2 =	seq.s32 s10, $0x1;
	s10 =	sld [smem:$0x3FB2]  }
0x3d: {  	_ =	shalt  }
0x3e: {  	_ =	shalt  }
0x3f: {  	_ =	shalt  }
0x40: {  	_ =	shalt  }
0x41: {  	_ =	shalt  }
0x42: {  	_ =	shalt  }
0x43: {  	_ =	shalt  }
0x44: {  	_ =	shalt  }
0x45: {  	_ =	shalt  }
0x46: {  	_ =	shalt  }
0x47: {  	_ =	shalt  }
0x48: {  	_ =	shalt  }
0x49: {  	_ =	shalt  }
0x4a: {  	_ =	shalt  }
0x4b: {  	_ =	shalt  }
0x4c: {  	_ =	shalt  }
0x4d: {  	_ =	shalt  }
0x4e: {  	_ =	shalt  }
0x4f: {  	_ =	shalt  }
0x50: {  	_ =	shalt  }
0x51: {  	_ =	shalt  }
0x52: {  	_ =	shalt  }
0x53: {  	_ =	shalt  }
0x54: {  	_ =	shalt  }
0x55: {  	_ =	shalt  }
0x56: {  	_ =	shalt  }
0x57: {  	_ =	shalt  }
0x58: {  	_ =	shalt  }
0x59: {  	_ =	shalt  }
0x5a: {  	_ =	shalt  }
0x5b: {  	_ =	shalt  }
0x5c: {  	_ =	shalt  }
0x5d: {  	_ =	shalt  }
0x5e: {  	_ =	shalt  }
0x5f: {  	_ =	shalt  }
0x60: {  	_ =	shalt  }
0x61: {  	_ =	shalt  }
0x62: {  	_ =	shalt  }
0x63: {  	_ =	shalt  }
0x64: {  	_ =	shalt  }
0x65: {  	_ =	shalt  }
0x66: {  	_ =	shalt  }
0x67: {  	_ =	shalt  }
0x68: {  	_ =	shalt  }
0x69: {  	_ =	shalt  }
0x6a: {  	_ =	shalt  }
0x6b: {  	_ =	shalt  }
0x6c: {  	_ =	shalt  }
0x6d: {  	_ =	shalt  }
0x6e: {  	_ =	shalt  }
0x6f: {  	_ =	shalt  }
0x70: {  	_ =	shalt  }
0x71: {  	_ =	shalt  }
0x72: {  	_ =	shalt  }
0x73: {  	_ =	shalt  }
0x74: {  	_ =	shalt  }
0x75: {  	_ =	shalt  }
0x76: {  	_ =	shalt  }
0x77: {  	_ =	shalt  }
0x78: {  	_ =	shalt  }
0x79: {  	_ =	shalt  }
0x7a: {  	_ =	shalt  }
0x7b: {  	_ =	shalt  }
0x7c: {  	_ =	shalt  }
0x7d: {  	_ =	shalt  }
0x7e: {  	_ =	shalt  }
0x7f: {  	_ =	shalt  }
0x80: {  	_ =	shalt  }
0x81: {  	_ =	shalt  }
0x82: {  	_ =	shalt  }
0x83: {  	_ =	shalt  }
0x84: {  	_ =	shalt  }
0x85: {  	_ =	shalt  }
0x86: {  	_ =	shalt  }
0x87: {  	_ =	shalt  }
.Lfunc_end0:
.L_simem_size_0:
called_computation_lowered:
.L_overlay_start_0:
0x88: {  	s2 =	sld [smem:$0x3FD9]  }
0x89: {  	s3 =	sld [smem:$0x3FFE];
	_ =	sdelay $0x1  }
0x8a: {  	s1 =	srdreg.scid  }
0x8b: {  	s0 =	sand.u32 $0x1, s1  }
0x8c: {  	s17 =	sshll.u32 s0, $0xA;
	s2 =	sadd.s32 s3, s2  }
0x8d: {  	s2 =	sadd.s32 s2, s17  }
0x8e: {  	[smem:$0x3FBE] =	sst s2  }
0x8f: {  	_ = 	snop  }
0x90: {  	s2 =	sld [smem:$0x3FC9]  }
0x91: {  	s18 =	sld [smem:$0x3FC8]  }
0x92: {  	s4 =	sld [smem:$0x3FC2]  }
0x93: {  	s5 =	sld [smem:$0x3FD0];
	(tm) =	ssettm $0x1  }
0x94: {  	s6 =	sld [smem:$0x3FFB];
	_ =	sdelay $0x3  }
0x95: {  	_ =	strace s6  }
0x96: {  	s6 =	sld [smem:$0x3FFC];
	_ =	sdelay $0x3  }
0x97: {  	_ =	strace s6  }
0x98: {  	s6 =	sld [smem:$0x3FFD];
	_ =	sdelay $0x3  }
0x99: {  	_ =	strace s6  }
0x9a: {  	_ =	strace $0x8FFFFFFF  }
0x9b: {  	s19 =	sld [smem:$0x3FDB];
	_ =	sdelay $0x1  }
0x9c: {  	s7 =	simm.s32 $_scs_section_size  }
0x9d: {  	s8 =	simm.s32 $_size__tile_overlayer_lowered;
	s9 =	simm.s32 $_tile_overlayer_lowered  }
0x9e: {  	s22 =	simm.s32 $0x1BFF;
	s21 =	sshll.u32 s9, $0x1;
	s6 =	sadd.s32 s7, s19  }
0x9f: {  	s10 =	simm.s32 $0x0;
	s20 =	sshll.u32 s8, $0x1;
	s8 =	sadd.s32 s21, s6  }
0xa0: {  	[timem:s10], [sflag:s22] =	dma.local [hbm:s8], s20  }
0xa1: {  	_ =	swait.ge [sflag:s22], s20  }
0xa2: {  	s7 =	ssub.s32 $0x0, s20;
	[sflag:s22] =	ssyncset.done $0x0  }
0xa3: {  	[sflag:s22] =	ssyncadd.s32 s7;
	_ =	sdelay $0x1  }
0xa4: {  	s23 =	simm.s32 $0x1B8B  }
0xa5: {  	_ =	swait.ge [sflag:s23], $0x1  }
0xa6: {  	[sflag:s23] =	ssyncset.done $0x0  }
0xa7: {  	s25 =	simm.s32 $0x1B8E;
	s24 =	sld [smem:$0x3FFE];
	[sflag:s23] =	ssyncadd.s32 $0xFFFFFFFF  }
0xa8: {  	s26 =	simm.s32 $execute0_lowered;
	[smem:$0x3FD2] =	sst s25  }
0xa9: {  	s8 =	sshll.u32 s26, $0x1;
	_ =	strace $0x80000046;
	[dreg:$0x1] =	wrdreg $0xFFFFFFFF  }
0xaa: {  	s28 =	simm.s32 $_size_execute0_lowered;
	s6 =	sadd.s32 s6, s8;
	[dreg:$0x0] =	wrdreg $0x0  }
0xab: {  	s8 =	sshll.u32 s28, $0x1;
	[dreg:$0x2] =	wrdreg s6  }
0xac: {  	[dreg:$0x3] =	wrdreg s8  }
0xad: {  	[dreg:$0x4] =	wrdreg $0xC0  }
0xae: {  	_ =	task [dreg:s10], $0x5FFFF  }
0xaf: {  	[dreg:$0x1] =	wrdreg $0xFFFFFFFF  }
0xb0: {  	[dreg:$0x0] =	wrdreg $0x60  }
0xb1: {  	[dreg:$0x2] =	wrdreg s18  }
0xb2: {  	[dreg:$0x3] =	wrdreg s2  }
0xb3: {  	[dreg:$0x4] =	wrdreg s4  }
0xb4: {  	[dreg:$0x5] =	wrdreg s24  }
0xb5: {  	[dreg:$0x6] =	wrdreg s5  }
0xb6: {  	[dreg:$0x7] =	wrdreg $0x9  }
0xb7: {  	_ =	task.clear_ibuf [dreg:s10], $0x8FFFF;
	_ =	strace $0x90000046  }
0xb8: {  	s29 =	simm.s32 $0x9;
	_ =	strace $0x80000048  }
0xb9: {  	_ =	swait.ge [sflag:s29], $0x1  }
0xba: {  	[sflag:s29] =	ssyncadd.s32 $0xFFFFFFFF  }
0xbb: {  	_ =	strace $0x90000048  }
0xbc: {  	_ =	sfence  }
0xbd: {  	s30 =	sld [smem:$0x0];
	_ =	sdelay $0x2  }
0xbe: {  	s31 =	sshll.u32 s1, $0xD;
	s1 =	sshrl.u32 s1, $0x2  }
0xbf: {  	s3 =	sand.u32 $0x4000, s31;
	s1 =	sadd.s32 s1, s30  }
0xc0: {  	s0 =	sor.u32 s3, s0;
	s1 =	sshll.u32 s1, $0x11  }
0xc1: {  	s0 =	sor.u32 s1, s0  }
0xc2: {  	s0 =	sadd.s32 $0x8F2B, s0  }
0xc3: {  	[sflag:s0] =	ssyncadd.remote.s32 $0x1  }
0xc4: {  	_ =	sfence.sel $0xFFFF  }
0xc5: {  	[dreg:$0x0] =	wrdreg $0xFFFFFFFF;
	(pc) =	sbr.abs _section_cstart, $3  }
0xc6: {  	[dreg:$0x1] =	wrdreg $0xFFFFFFFF  }
0xc7: {  	_ =	task.clear_ibuf [dreg:s10], $0x2FFFF;
	_ =	strace $0x9FFFFFFF  }
0xc8: {  	(tm) =	ssettm $0x7FFFFFFF  }
0xc9: {  	_ =	shalt  }
tec
execute0_lowered:
.L_overlay_start_1:
0x0: {  	(tag) =	ssettag $0x1  }
0x1: {  	s0 =	rddreg [dreg:$0x0]  }
0x2: {  	s5 =	rddreg [dreg:$0x1]  }
0x3: {  	s3 =	rddreg [dreg:$0x2]  }
0x4: {  	s6 =	rddreg [dreg:$0x3]  }
0x5: {  	s7 =	rddreg [dreg:$0x4];
	s4 =	srdreg.scid  }
0x6: {  	s2 =	simm.s32 $0x0;
	s1 =	stileid.u32;
	s30 =	simm.s32 $0x5  }
0x7: {  	s29 =	simm.s32 $0x200;
	s12 =	simm.s32 $0x80;
	s16 =	simm.s32 $0x400  }
0x8: {  	s17 =	simm.s32 $0x8400;
	s13 =	simm.s32 $0x1;
	s28 =	simm.s32 $0x280  }
0x9: {  	p0 =	por $0x0, $0x0;
	s8 =	sand.u32 $0x1, s4;
	[smem:$0x7FF] =	sst s2  }
0xa: {  	s20 =	sshll.u32 s1, $0xA;
	s4 =	sadd.s32 $0x1E00, s6;
	s6 =	sadd.s32 $0x5E00, s6  }
0xb: {  	s9 =	sshll.u32 s8, $0x9;
	_ =	strace $0x80000047;
	s8 =	ssub.s32 $0x2, s8  }
0xc: {  	s9 =	sor.u32 s9, s20;
	s11 =	sshrl.u32 s8, $0x1;
	s20 =	simm.s32 $0x180  }
0xd: {  	s10 =	sshrl.u32 s9, $0x3;
	s8 =	ssub.s32 s8, s11;
	s21 =	sshll.u32 s9, $0x4  }
0xe: {  	s11 =	simm.s32 $0xC400;
	s0 =	sadd.s32 s0, s10;
	s26 =	sadd.s32 s5, s10  }
0xf: {  	s22 =	sadd.s32 s7, s21;
	s24 =	sor.u32 $0x800, s21;
	s23 =	sadd.s32 s6, s21  }
0x10: {  	s9 =	sor.u32 $0x1000, s21;
	s25 =	smax.u32 s8, $0x1;
	s10 =	simm.s32 $0x4400  }
0x11: {  	s8 =	simm.s32 $0x4;
	[dreg:$0x6] =	wrdreg s0;
	p1 =	sne.s32 s25, $0x1  }
.Ltmp0:
0x12: {  	s18 =	sadd.s32 s7, s24;
	s19 =	sadd.s32 s6, s24;
	(pc) =	sbr.rel @!p1 .LBB2_3-.Ltmp0, $4  }
0x13: {  	s14 =	sadd.s32 s7, s9;
	s0 =	sor.u32 $0x1800, s21;
	s15 =	sadd.s32 s6, s9  }
0x14: {  	s9 =	simm.s32 $0x2;
	s31 =	sadd.s32 $0xFFFFFFFF, s25;
	s24 =	simm.s32 $0x100  }
0x15: {  	s25 =	simm.s32 $0x300;
	s21 =	simm.s32 $0x380;
	s5 =	sadd.s32 s7, s0  }
0x16: {  	s6 =	sadd.s32 s6, s0;
	s7 =	simm.s32 $0x3;
	s0 =	rddreg [dreg:$0x6]  }
0x17: {  	[tilespmem:s2], [sflag:$0x5] =	stream.linear.gather [hbm4b:s0+s2], $0x200, $0x38;
	[tilespmem:$0x10400] =	vst v63  }
0x18: {  	_ =	swait.ge [sflag:s30], $0x200  }
0x19: {  	[sflag:s30] =	ssyncset.done $0x0  }
0x1a: {  	[sflag:s30] =	ssyncadd.s32 $0xFFFFFE00  }
0x1b: {  	[tilespmem:s29], [sflag:$0x5] =	stream.linear.gather [hbm4b:s26+s2], $0x200, $0x38;
	[tilespmem:$0x10400] =	vst v63  }
0x1c: {  	_ =	swait.ge [sflag:s30], $0x200  }
0x1d: {  	[sflag:s30] =	ssyncset.done $0x0  }
0x1e: {  	[sflag:s30] =	ssyncadd.s32 $0xFFFFFE00  }
0x1f: {  	[tilespmem:s16], [sflag:$0x1] =	stream.indirect.gather [hbm4b:s3+s12], $0x80, s2, s12, $0xb8;
	[tilespmem:$0x10400] =	vst v63  }
0x20: {  	_ = 	snop  }
0x21: {  	[tilespmem:s17], [sflag:$0x2] =	stream.indirect.gather [hbm4b:s4+s12], $0x80, s29, s12, $0xb8;
	[tilespmem:$0x10400] =	vst v63  }
0x22: {  	_ =	swait.ge [sflag:s13], $0x4000  }
0x23: {  	[sflag:s13] =	ssyncset.done $0x0  }
0x24: {  	[sflag:s13] =	ssyncadd.s32 $0xFFFFC000  }
0x25: {  	_ =	swait.ge [sflag:s9], $0x4000  }
0x26: {  	[sflag:s9] =	ssyncset.done $0x0  }
0x27: {  	[sflag:s9] =	ssyncadd.s32 $0xFFFFC000  }
0x28: {  	[hbm4b:s22+s2] =	stream.linear.scatter [tilespmem:s16], [sflag:$0x3], $0x4000, $0x38;
	[tilespmem:$0x10400] =	vst v63  }
0x29: {  	_ = 	snop  }
0x2a: {  	[hbm4b:s23+s2] =	stream.linear.scatter [tilespmem:s17], [sflag:$0x4], $0x4000, $0x38;
	[tilespmem:$0x10400] =	vst v63  }
0x2b: {  	_ = 	snop  }
0x2c: {  	[tilespmem:s10], [sflag:$0x1] =	stream.indirect.gather [hbm4b:s3+s12], $0x80, s12, s12, $0xb8;
	[tilespmem:$0x10400] =	vst v63  }
0x2d: {  	_ = 	snop  }
0x2e: {  	[tilespmem:s11], [sflag:$0x2] =	stream.indirect.gather [hbm4b:s4+s12], $0x80, s28, s12, $0xb8;
	[tilespmem:$0x10400] =	vst v63  }
0x2f: {  	_ =	swait.ge [sflag:s13], $0x4000  }
0x30: {  	[sflag:s13] =	ssyncset.done $0x0  }
0x31: {  	[sflag:s13] =	ssyncadd.s32 $0xFFFFC000  }
0x32: {  	_ =	swait.ge [sflag:s9], $0x4000  }
0x33: {  	[sflag:s9] =	ssyncset.done $0x0  }
0x34: {  	[sflag:s9] =	ssyncadd.s32 $0xFFFFC000  }
0x35: {  	[hbm4b:s18+s2] =	stream.linear.scatter [tilespmem:s10], [sflag:$0x3], $0x4000, $0x38;
	[tilespmem:$0x10400] =	vst v63  }
0x36: {  	_ = 	snop  }
0x37: {  	[hbm4b:s19+s2] =	stream.linear.scatter [tilespmem:s11], [sflag:$0x4], $0x4000, $0x38;
	[tilespmem:$0x10400] =	vst v63  }
0x38: {  	_ =	swait.ge [sflag:s7], $0x4000  }
0x39: {  	[sflag:s7] =	ssyncset.done $0x0  }
0x3a: {  	[sflag:s7] =	ssyncadd.s32 $0xFFFFC000  }
0x3b: {  	_ =	swait.ge [sflag:s8], $0x4000  }
0x3c: {  	[sflag:s8] =	ssyncset.done $0x0  }
0x3d: {  	[sflag:s8] =	ssyncadd.s32 $0xFFFFC000  }
0x3e: {  	[tilespmem:s16], [sflag:$0x1] =	stream.indirect.gather [hbm4b:s3+s12], $0x80, s24, s12, $0xb8;
	[tilespmem:$0x10400] =	vst v63  }
0x3f: {  	_ = 	snop  }
0x40: {  	[tilespmem:s17], [sflag:$0x2] =	stream.indirect.gather [hbm4b:s4+s12], $0x80, s25, s12, $0xb8;
	[tilespmem:$0x10400] =	vst v63  }
0x41: {  	_ =	swait.ge [sflag:s13], $0x4000  }
0x42: {  	[sflag:s13] =	ssyncset.done $0x0  }
0x43: {  	[sflag:s13] =	ssyncadd.s32 $0xFFFFC000  }
0x44: {  	_ =	swait.ge [sflag:s9], $0x4000  }
0x45: {  	[sflag:s9] =	ssyncset.done $0x0  }
0x46: {  	[sflag:s9] =	ssyncadd.s32 $0xFFFFC000  }
0x47: {  	[hbm4b:s14+s2] =	stream.linear.scatter [tilespmem:s16], [sflag:$0x3], $0x4000, $0x38;
	[tilespmem:$0x10400] =	vst v63  }
0x48: {  	_ = 	snop  }
0x49: {  	[hbm4b:s15+s2] =	stream.linear.scatter [tilespmem:s17], [sflag:$0x4], $0x4000, $0x38;
	[tilespmem:$0x10400] =	vst v63  }
0x4a: {  	_ =	swait.ge [sflag:s7], $0x4000  }
0x4b: {  	[sflag:s7] =	ssyncset.done $0x0  }
0x4c: {  	[sflag:s7] =	ssyncadd.s32 $0xFFFFC000  }
0x4d: {  	_ =	swait.ge [sflag:s8], $0x4000  }
0x4e: {  	[sflag:s8] =	ssyncset.done $0x0  }
0x4f: {  	[sflag:s8] =	ssyncadd.s32 $0xFFFFC000  }
0x50: {  	[tilespmem:s10], [sflag:$0x1] =	stream.indirect.gather [hbm4b:s3+s12], $0x80, s20, s12, $0xb8;
	[tilespmem:$0x10400] =	vst v63  }
0x51: {  	_ = 	snop  }
0x52: {  	[tilespmem:s11], [sflag:$0x2] =	stream.indirect.gather [hbm4b:s4+s12], $0x80, s21, s12, $0xb8;
	[tilespmem:$0x10400] =	vst v63  }
0x53: {  	_ =	swait.ge [sflag:s13], $0x4000  }
0x54: {  	[sflag:s13] =	ssyncset.done $0x0  }
0x55: {  	[sflag:s13] =	ssyncadd.s32 $0xFFFFC000  }
0x56: {  	_ =	swait.ge [sflag:s9], $0x4000  }
0x57: {  	[sflag:s9] =	ssyncset.done $0x0  }
0x58: {  	[sflag:s9] =	ssyncadd.s32 $0xFFFFC000  }
0x59: {  	[hbm4b:s5+s2] =	stream.linear.scatter [tilespmem:s10], [sflag:$0x3], $0x4000, $0x38;
	[tilespmem:$0x10400] =	vst v63  }
0x5a: {  	_ = 	snop  }
0x5b: {  	[hbm4b:s6+s2] =	stream.linear.scatter [tilespmem:s11], [sflag:$0x4], $0x4000, $0x38;
	[tilespmem:$0x10400] =	vst v63  }
0x5c: {  	_ =	swait.ge [sflag:s7], $0x4000  }
0x5d: {  	[sflag:s7] =	ssyncset.done $0x0  }
0x5e: {  	[sflag:s7] =	ssyncadd.s32 $0xFFFFC000  }
0x5f: {  	_ =	swait.ge [sflag:s8], $0x4000  }
0x60: {  	[sflag:s8] =	ssyncset.done $0x0  }
0x61: {  	p1 =	sne.s32 s31, $0x1;
	[sflag:s8] =	ssyncadd.s32 $0xFFFFC000  }
.Ltmp1:
0x62: {  	_ =	swait.ge [sflag:s7], $0x4000;
	(pc) =	sbr.rel @!p1 .LBB2_3-.Ltmp1, $4  }
0x63: {  	[sflag:s7] =	ssyncset.done $0x0  }
0x64: {  	[sflag:s7] =	ssyncadd.s32 $0xFFFFC000  }
0x65: {  	s31 =	sadd.s32 $0xFFFFFFFF, s31;
	_ =	swait.ge [sflag:s8], $0x4000  }
0x66: {  	p0 =	por $0x1, $0x1;
	s0 =	rddreg [dreg:$0x6];
	[sflag:s8] =	ssyncset.done $0x0  }
.LBB2_2:
0x67: {  	[sflag:s8] =	ssyncadd.s32 $0xFFFFC000  }
0x68: {  	[tilespmem:s2], [sflag:$0x5] =	stream.linear.gather [hbm4b:s0+s2], $0x200, $0x38;
	[tilespmem:$0x10400] =	vst v63  }
0x69: {  	_ =	swait.ge [sflag:s30], $0x200  }
0x6a: {  	[sflag:s30] =	ssyncset.done $0x0  }
0x6b: {  	[sflag:s30] =	ssyncadd.s32 $0xFFFFFE00  }
0x6c: {  	[tilespmem:s29], [sflag:$0x5] =	stream.linear.gather [hbm4b:s26+s2], $0x200, $0x38;
	[tilespmem:$0x10400] =	vst v63  }
0x6d: {  	_ =	swait.ge [sflag:s30], $0x200  }
0x6e: {  	[sflag:s30] =	ssyncset.done $0x0  }
0x6f: {  	[sflag:s30] =	ssyncadd.s32 $0xFFFFFE00  }
0x70: {  	[tilespmem:s16], [sflag:$0x1] =	stream.indirect.gather [hbm4b:s3+s12], $0x80, s2, s12, $0xb8;
	[tilespmem:$0x10400] =	vst v63  }
0x71: {  	_ = 	snop  }
0x72: {  	[tilespmem:s17], [sflag:$0x2] =	stream.indirect.gather [hbm4b:s4+s12], $0x80, s29, s12, $0xb8;
	[tilespmem:$0x10400] =	vst v63  }
0x73: {  	_ =	swait.ge [sflag:s13], $0x4000  }
0x74: {  	[sflag:s13] =	ssyncset.done $0x0  }
0x75: {  	[sflag:s13] =	ssyncadd.s32 $0xFFFFC000  }
0x76: {  	_ =	swait.ge [sflag:s9], $0x4000  }
0x77: {  	[sflag:s9] =	ssyncset.done $0x0  }
0x78: {  	[sflag:s9] =	ssyncadd.s32 $0xFFFFC000  }
0x79: {  	[hbm4b:s22+s2] =	stream.linear.scatter [tilespmem:s16], [sflag:$0x3], $0x4000, $0x38;
	[tilespmem:$0x10400] =	vst v63  }
0x7a: {  	_ = 	snop  }
0x7b: {  	[hbm4b:s23+s2] =	stream.linear.scatter [tilespmem:s17], [sflag:$0x4], $0x4000, $0x38;
	[tilespmem:$0x10400] =	vst v63  }
0x7c: {  	_ = 	snop  }
0x7d: {  	[tilespmem:s10], [sflag:$0x1] =	stream.indirect.gather [hbm4b:s3+s12], $0x80, s12, s12, $0xb8;
	[tilespmem:$0x10400] =	vst v63  }
0x7e: {  	_ = 	snop  }
0x7f: {  	[tilespmem:s11], [sflag:$0x2] =	stream.indirect.gather [hbm4b:s4+s12], $0x80, s28, s12, $0xb8;
	[tilespmem:$0x10400] =	vst v63  }
0x80: {  	_ =	swait.ge [sflag:s13], $0x4000  }
0x81: {  	[sflag:s13] =	ssyncset.done $0x0  }
0x82: {  	[sflag:s13] =	ssyncadd.s32 $0xFFFFC000  }
0x83: {  	_ =	swait.ge [sflag:s9], $0x4000  }
0x84: {  	[sflag:s9] =	ssyncset.done $0x0  }
0x85: {  	[sflag:s9] =	ssyncadd.s32 $0xFFFFC000  }
0x86: {  	[hbm4b:s18+s2] =	stream.linear.scatter [tilespmem:s10], [sflag:$0x3], $0x4000, $0x38;
	[tilespmem:$0x10400] =	vst v63  }
0x87: {  	_ = 	snop  }
0x88: {  	[hbm4b:s19+s2] =	stream.linear.scatter [tilespmem:s11], [sflag:$0x4], $0x4000, $0x38;
	[tilespmem:$0x10400] =	vst v63  }
0x89: {  	_ =	swait.ge [sflag:s7], $0x4000  }
0x8a: {  	[sflag:s7] =	ssyncset.done $0x0  }
0x8b: {  	[sflag:s7] =	ssyncadd.s32 $0xFFFFC000  }
0x8c: {  	_ =	swait.ge [sflag:s8], $0x4000  }
0x8d: {  	[sflag:s8] =	ssyncset.done $0x0  }
0x8e: {  	[sflag:s8] =	ssyncadd.s32 $0xFFFFC000  }
0x8f: {  	[tilespmem:s16], [sflag:$0x1] =	stream.indirect.gather [hbm4b:s3+s12], $0x80, s24, s12, $0xb8;
	[tilespmem:$0x10400] =	vst v63  }
0x90: {  	_ = 	snop  }
0x91: {  	[tilespmem:s17], [sflag:$0x2] =	stream.indirect.gather [hbm4b:s4+s12], $0x80, s25, s12, $0xb8;
	[tilespmem:$0x10400] =	vst v63  }
0x92: {  	_ =	swait.ge [sflag:s13], $0x4000  }
0x93: {  	[sflag:s13] =	ssyncset.done $0x0  }
0x94: {  	[sflag:s13] =	ssyncadd.s32 $0xFFFFC000  }
0x95: {  	_ =	swait.ge [sflag:s9], $0x4000  }
0x96: {  	[sflag:s9] =	ssyncset.done $0x0  }
0x97: {  	[sflag:s9] =	ssyncadd.s32 $0xFFFFC000  }
0x98: {  	[hbm4b:s14+s2] =	stream.linear.scatter [tilespmem:s16], [sflag:$0x3], $0x4000, $0x38;
	[tilespmem:$0x10400] =	vst v63  }
0x99: {  	_ = 	snop  }
0x9a: {  	[hbm4b:s15+s2] =	stream.linear.scatter [tilespmem:s17], [sflag:$0x4], $0x4000, $0x38;
	[tilespmem:$0x10400] =	vst v63  }
0x9b: {  	_ =	swait.ge [sflag:s7], $0x4000  }
0x9c: {  	[sflag:s7] =	ssyncset.done $0x0  }
0x9d: {  	[sflag:s7] =	ssyncadd.s32 $0xFFFFC000  }
0x9e: {  	_ =	swait.ge [sflag:s8], $0x4000  }
0x9f: {  	[sflag:s8] =	ssyncset.done $0x0  }
0xa0: {  	[sflag:s8] =	ssyncadd.s32 $0xFFFFC000  }
0xa1: {  	[tilespmem:s10], [sflag:$0x1] =	stream.indirect.gather [hbm4b:s3+s12], $0x80, s20, s12, $0xb8;
	[tilespmem:$0x10400] =	vst v63  }
0xa2: {  	_ = 	snop  }
0xa3: {  	[tilespmem:s11], [sflag:$0x2] =	stream.indirect.gather [hbm4b:s4+s12], $0x80, s21, s12, $0xb8;
	[tilespmem:$0x10400] =	vst v63  }
0xa4: {  	_ =	swait.ge [sflag:s13], $0x4000  }
0xa5: {  	[sflag:s13] =	ssyncset.done $0x0  }
0xa6: {  	[sflag:s13] =	ssyncadd.s32 $0xFFFFC000  }
0xa7: {  	_ =	swait.ge [sflag:s9], $0x4000  }
0xa8: {  	[sflag:s9] =	ssyncset.done $0x0  }
0xa9: {  	[sflag:s9] =	ssyncadd.s32 $0xFFFFC000  }
0xaa: {  	[hbm4b:s5+s2] =	stream.linear.scatter [tilespmem:s10], [sflag:$0x3], $0x4000, $0x38;
	[tilespmem:$0x10400] =	vst v63  }
0xab: {  	_ = 	snop  }
0xac: {  	[hbm4b:s6+s2] =	stream.linear.scatter [tilespmem:s11], [sflag:$0x4], $0x4000, $0x38;
	[tilespmem:$0x10400] =	vst v63  }
0xad: {  	_ =	swait.ge [sflag:s7], $0x4000  }
0xae: {  	[sflag:s7] =	ssyncset.done $0x0  }
0xaf: {  	[sflag:s7] =	ssyncadd.s32 $0xFFFFC000  }
0xb0: {  	_ =	swait.ge [sflag:s8], $0x4000  }
0xb1: {  	[sflag:s8] =	ssyncset.done $0x0  }
0xb2: {  	p1 =	sne.s32 s31, $0x1;
	[sflag:s8] =	ssyncadd.s32 $0xFFFFC000  }
.Ltmp2:
0xb3: {  	_ =	swait.ge [sflag:s7], $0x4000;
	(pc) =	sbr.rel @p1 .LBB2_2-.Ltmp2, $4  }
0xb4: {  	[sflag:s7] =	ssyncset.done $0x0  }
0xb5: {  	[sflag:s7] =	ssyncadd.s32 $0xFFFFC000  }
0xb6: {  	_ =	swait.ge [sflag:s8], $0x4000  }
0xb7: {  	s31 =	sadd.s32 $0xFFFFFFFF, s31;
	s0 =	rddreg [dreg:$0x6];
	[sflag:s8] =	ssyncset.done $0x0  }
.LBB2_3:
0xb8: {  	[sflag:s8] =	ssyncadd.s32 @p0 $0xFFFFC000  }
0xb9: {  	[tilespmem:s2], [sflag:$0x5] =	stream.linear.gather [hbm4b:s0+s2], $0x200, $0x38;
	[tilespmem:$0x10400] =	vst v63  }
0xba: {  	_ =	swait.ge [sflag:s30], $0x200  }
0xbb: {  	[sflag:s30] =	ssyncset.done $0x0  }
0xbc: {  	[sflag:s30] =	ssyncadd.s32 $0xFFFFFE00  }
0xbd: {  	[tilespmem:s29], [sflag:$0x5] =	stream.linear.gather [hbm4b:s26+s2], $0x200, $0x38;
	[tilespmem:$0x10400] =	vst v63  }
0xbe: {  	_ =	swait.ge [sflag:s30], $0x200  }
0xbf: {  	[sflag:s30] =	ssyncset.done $0x0  }
0xc0: {  	[sflag:s30] =	ssyncadd.s32 $0xFFFFFE00  }
0xc1: {  	[tilespmem:s16], [sflag:$0x1] =	stream.indirect.gather [hbm4b:s3+s12], $0x80, s2, s12, $0xb8;
	[tilespmem:$0x10400] =	vst v63  }
0xc2: {  	_ = 	snop  }
0xc3: {  	[tilespmem:s17], [sflag:$0x2] =	stream.indirect.gather [hbm4b:s4+s12], $0x80, s29, s12, $0xb8;
	[tilespmem:$0x10400] =	vst v63  }
0xc4: {  	_ =	swait.ge [sflag:s13], $0x4000  }
0xc5: {  	[sflag:s13] =	ssyncset.done $0x0  }
0xc6: {  	[sflag:s13] =	ssyncadd.s32 $0xFFFFC000  }
0xc7: {  	_ =	swait.ge [sflag:s9], $0x4000  }
0xc8: {  	[sflag:s9] =	ssyncset.done $0x0  }
0xc9: {  	[sflag:s9] =	ssyncadd.s32 $0xFFFFC000  }
0xca: {  	[hbm4b:s22+s2] =	stream.linear.scatter [tilespmem:s16], [sflag:$0x3], $0x4000, $0x38;
	[tilespmem:$0x10400] =	vst v63  }
0xcb: {  	_ = 	snop  }
0xcc: {  	[hbm4b:s23+s2] =	stream.linear.scatter [tilespmem:s17], [sflag:$0x4], $0x4000, $0x38;
	[tilespmem:$0x10400] =	vst v63  }
0xcd: {  	_ = 	snop  }
0xce: {  	[tilespmem:s10], [sflag:$0x1] =	stream.indirect.gather [hbm4b:s3+s12], $0x80, s12, s12, $0xb8;
	[tilespmem:$0x10400] =	vst v63  }
0xcf: {  	_ = 	snop  }
0xd0: {  	[tilespmem:s11], [sflag:$0x2] =	stream.indirect.gather [hbm4b:s4+s12], $0x80, s28, s12, $0xb8;
	[tilespmem:$0x10400] =	vst v63  }
0xd1: {  	_ =	swait.ge [sflag:s13], $0x4000  }
0xd2: {  	[sflag:s13] =	ssyncset.done $0x0  }
0xd3: {  	[sflag:s13] =	ssyncadd.s32 $0xFFFFC000  }
0xd4: {  	_ =	swait.ge [sflag:s9], $0x4000  }
0xd5: {  	[sflag:s9] =	ssyncset.done $0x0  }
0xd6: {  	[sflag:s9] =	ssyncadd.s32 $0xFFFFC000  }
0xd7: {  	[hbm4b:s18+s2] =	stream.linear.scatter [tilespmem:s10], [sflag:$0x3], $0x4000, $0x38;
	[tilespmem:$0x10400] =	vst v63  }
0xd8: {  	_ = 	snop  }
0xd9: {  	[hbm4b:s19+s2] =	stream.linear.scatter [tilespmem:s11], [sflag:$0x4], $0x4000, $0x38;
	[tilespmem:$0x10400] =	vst v63  }
0xda: {  	_ =	swait.ge [sflag:s7], $0x4000  }
0xdb: {  	[sflag:s7] =	ssyncset.done $0x0  }
0xdc: {  	[sflag:s7] =	ssyncadd.s32 $0xFFFFC000  }
0xdd: {  	_ =	swait.ge [sflag:s8], $0x4000  }
0xde: {  	[sflag:s8] =	ssyncset.done $0x0  }
0xdf: {  	[sflag:s8] =	ssyncadd.s32 $0xFFFFC000  }
0xe0: {  	[tilespmem:s16], [sflag:$0x1] =	stream.indirect.gather [hbm4b:s3+s12], $0x80, s24, s12, $0xb8;
	[tilespmem:$0x10400] =	vst v63  }
0xe1: {  	_ = 	snop  }
0xe2: {  	[tilespmem:s17], [sflag:$0x2] =	stream.indirect.gather [hbm4b:s4+s12], $0x80, s25, s12, $0xb8;
	[tilespmem:$0x10400] =	vst v63  }
0xe3: {  	_ =	swait.ge [sflag:s13], $0x4000  }
0xe4: {  	[sflag:s13] =	ssyncset.done $0x0  }
0xe5: {  	[sflag:s13] =	ssyncadd.s32 $0xFFFFC000  }
0xe6: {  	_ =	swait.ge [sflag:s9], $0x4000  }
0xe7: {  	[sflag:s9] =	ssyncset.done $0x0  }
0xe8: {  	[sflag:s9] =	ssyncadd.s32 $0xFFFFC000  }
0xe9: {  	[hbm4b:s14+s2] =	stream.linear.scatter [tilespmem:s16], [sflag:$0x3], $0x4000, $0x38;
	[tilespmem:$0x10400] =	vst v63  }
0xea: {  	_ = 	snop  }
0xeb: {  	[hbm4b:s15+s2] =	stream.linear.scatter [tilespmem:s17], [sflag:$0x4], $0x4000, $0x38;
	[tilespmem:$0x10400] =	vst v63  }
0xec: {  	_ =	swait.ge [sflag:s7], $0x4000  }
0xed: {  	[sflag:s7] =	ssyncset.done $0x0  }
0xee: {  	[sflag:s7] =	ssyncadd.s32 $0xFFFFC000  }
0xef: {  	_ =	swait.ge [sflag:s8], $0x4000  }
0xf0: {  	[sflag:s8] =	ssyncset.done $0x0  }
0xf1: {  	[sflag:s8] =	ssyncadd.s32 $0xFFFFC000  }
0xf2: {  	[tilespmem:s10], [sflag:$0x1] =	stream.indirect.gather [hbm4b:s3+s12], $0x80, s20, s12, $0xb8;
	[tilespmem:$0x10400] =	vst v63  }
0xf3: {  	_ = 	snop  }
0xf4: {  	[tilespmem:s11], [sflag:$0x2] =	stream.indirect.gather [hbm4b:s4+s12], $0x80, s21, s12, $0xb8;
	[tilespmem:$0x10400] =	vst v63  }
0xf5: {  	_ =	swait.ge [sflag:s13], $0x4000  }
0xf6: {  	[sflag:s13] =	ssyncset.done $0x0  }
0xf7: {  	[sflag:s13] =	ssyncadd.s32 $0xFFFFC000  }
0xf8: {  	_ =	swait.ge [sflag:s9], $0x4000  }
0xf9: {  	[sflag:s9] =	ssyncset.done $0x0  }
0xfa: {  	[sflag:s9] =	ssyncadd.s32 $0xFFFFC000  }
0xfb: {  	[hbm4b:s5+s2] =	stream.linear.scatter [tilespmem:s10], [sflag:$0x3], $0x4000, $0x38;
	[tilespmem:$0x10400] =	vst v63  }
0xfc: {  	_ = 	snop  }
0xfd: {  	[hbm4b:s6+s2] =	stream.linear.scatter [tilespmem:s11], [sflag:$0x4], $0x4000, $0x38;
	[tilespmem:$0x10400] =	vst v63  }
0xfe: {  	_ =	swait.ge [sflag:s7], $0x4000  }
0xff: {  	[sflag:s7] =	ssyncset.done $0x0  }
0x100: {  	[sflag:s7] =	ssyncadd.s32 $0xFFFFC000  }
0x101: {  	_ =	swait.ge [sflag:s8], $0x4000  }
0x102: {  	[sflag:s8] =	ssyncset.done $0x0  }
0x103: {  	[sflag:s8] =	ssyncadd.s32 $0xFFFFC000  }
0x104: {  	_ =	swait.ge [sflag:s7], $0x4000  }
0x105: {  	[sflag:s7] =	ssyncset.done $0x0  }
0x106: {  	[sflag:s7] =	ssyncadd.s32 $0xFFFFC000  }
0x107: {  	_ =	swait.ge [sflag:s8], $0x4000  }
0x108: {  	[sflag:s8] =	ssyncset.done $0x0  }
0x109: {  	[sflag:s8] =	ssyncadd.s32 $0xFFFFC000  }
0x10a: {  	_ =	sfence.sel $0x180000  }
0x10b: {  	[bflag:$0x0] =	sbarrier.arrive $0xFFFF  }
0x10c: {  	_ =	strace $0x90000047  }
0x10d: {  	[bflag:$0x2] =	sbarrier.arrive $0xFFFF  }
0x10e: {  	p0 =	sne.s32 s1, $0x0;
	s0 =	rddreg [dreg:$0x5]  }
0x10f: {  	s0 =	sadd.s32 @!p0 $0x100000, s0  }
0x110: {  	[sflag:s0] =	ssyncadd.tile.s32 @!p0 $0x1;
	_ =	shalt  }
.Lfunc_end2:
_tile_overlayer_lowered:
.L_overlay_start_2:
0x111: {  	(tag) =	ssettag $0x2  }
0x112: {  	s0 =	rddreg [dreg:$0x0];
	s2 =	stileid.u32  }
0x113: {  	s1 =	rddreg [dreg:$0x1];
	p0 =	sne.s32 s2, $0x0  }
0x114: {  	s3 =	rddreg [dreg:$0x2];
	[bflag:$0x3] =	sbarrier.arrive $0xFFFF;
	s2 =	simm.s32 @!p0 $0x1C05  }
0x115: {  	[timem:s3], [sflag:s2] =	dma.local @!p0 [hbm:s0], s1  }
0x116: {  	s0 =	simm.s32 @!p0 $0x5  }
0x117: {  	_ =	swait.ge @!p0 [sflag:s0], s1  }
0x118: {  	s1 =	ssub.s32 @!p0 $0x0, s1;
	[sflag:s0] =	ssyncset.done @!p0 $0x0  }
0x119: {  	[sflag:s0] =	ssyncadd.s32 @!p0 s1  }
0x11a: {  	[bflag:$0x3] =	sbarrier.arrive $0xFFFF  }
0x11b: {  	_ =	shalt  }

</sc_bundles>
